<compile_context>
chip_gen: v7x
topology: tpu7x:2x2x1
jax: 0.10.2.dev20260603
libtpu: 0.0.44.dev20260713+nightly
codegen_flags: <defaults>
</compile_context>

<pallas_src>
import functools

import jax
import jax.numpy as jnp
from jax import lax
from jax.experimental import pallas as pl
from jax.experimental.pallas import tpu as pltpu
from jax.experimental.pallas import tpu_sc as plsc

LANES = 16
CB = 128
NW = 32



def _node_prep_body(mem_ref, feat_ref, wr1, wr2, br, wmn, nr_ref, npre_ref):
    nr = jnp.maximum(
        jnp.dot(mem_ref[...], wr1[...], preferred_element_type=jnp.float32)
        + jnp.dot(feat_ref[...], wr2[...], preferred_element_type=jnp.float32)
        + br[...],
        0.0,
    )
    nr_ref[...] = nr
    npre_ref[...] = jnp.dot(nr, wmn[...], preferred_element_type=jnp.float32)


def _node_prep(node_memory, node_features, W_read, b_read, wmn, blk):
    n, mem = node_memory.shape
    feat = node_features.shape[1]
    grid = pl.cdiv(n, blk)
    return pl.pallas_call(
        _node_prep_body,
        grid=(grid,),
        in_specs=[
            pl.BlockSpec((blk, mem), lambda i: (i, 0)),
            pl.BlockSpec((blk, feat), lambda i: (i, 0)),
            pl.BlockSpec((mem, mem), lambda i: (0, 0)),
            pl.BlockSpec((feat, mem), lambda i: (0, 0)),
            pl.BlockSpec((1, mem), lambda i: (0, 0)),
            pl.BlockSpec((mem, mem), lambda i: (0, 0)),
        ],
        out_specs=[
            pl.BlockSpec((blk, mem), lambda i: (i, 0)),
            pl.BlockSpec((blk, mem), lambda i: (i, 0)),
        ],
        out_shape=[
            jax.ShapeDtypeStruct((n, mem), jnp.float32),
            jax.ShapeDtypeStruct((n, mem), jnp.float32),
        ],
    )(node_memory, node_features, W_read[:mem], W_read[mem:],
      b_read.reshape(1, mem), wmn)



def _edge_pre_body(ef_ref, te_ref, wme, wmt, bm, out_ref):
    out_ref[...] = (
        jnp.dot(ef_ref[...], wme[...], preferred_element_type=jnp.float32)
        + jnp.dot(te_ref[...], wmt[...], preferred_element_type=jnp.float32)
        + bm[...]
    )


def _edge_pre(edge_features, time_encoding, wme, wmt, b_msg, e_pad, blk):
    e, de = edge_features.shape
    dt = time_encoding.shape[1]
    mem = wme.shape[1]
    grid = e_pad // blk
    return pl.pallas_call(
        _edge_pre_body,
        grid=(grid,),
        in_specs=[
            pl.BlockSpec((blk, de), lambda i: (i, 0)),
            pl.BlockSpec((blk, dt), lambda i: (i, 0)),
            pl.BlockSpec((de, mem), lambda i: (0, 0)),
            pl.BlockSpec((dt, mem), lambda i: (0, 0)),
            pl.BlockSpec((1, mem), lambda i: (0, 0)),
        ],
        out_specs=pl.BlockSpec((blk, mem), lambda i: (i, 0)),
        out_shape=jax.ShapeDtypeStruct((e_pad, mem), jnp.float32),
    )(edge_features, time_encoding, wme, wmt, b_msg.reshape(1, mem))



def _make_sc_scatter(n_pad, mem, k_chunks, rows_per_tile):
    mesh = plsc.VectorSubcoreMesh(core_axis_name="c", subcore_axis_name="s")
    zero_full = rows_per_tile // CB
    zero_rem = rows_per_tile - zero_full * CB

    @functools.partial(
        pl.kernel,
        mesh=mesh,
        out_type=jax.ShapeDtypeStruct((2, n_pad, mem), jnp.float32),
        scratch_types=[
            pltpu.VMEM((CB,), jnp.int32),
            pltpu.VMEM((CB,), jnp.int32),
            pltpu.VMEM((CB, mem), jnp.float32),
            pltpu.VMEM((CB, mem), jnp.float32),
            pltpu.VMEM_SHARED((n_pad, mem), jnp.float32),
            pltpu.SemaphoreType.DMA,
        ],
    )
    def sc_scatter(npre_hbm, srcp_hbm, dstp_hbm, epre_hbm, accm_hbm,
                   src_v, dst_v, gbuf, ebuf, shm, sem):
        c = lax.axis_index("c")
        s = lax.axis_index("s")
        wid = c * 16 + s
        vregs = mem // LANES

        zvec = jnp.zeros((LANES,), jnp.float32)

        def zero_row(r, _):
            for k in range(vregs):
                ebuf[r, pl.ds(k * LANES, LANES)] = zvec
            return _

        lax.fori_loop(0, CB, zero_row, None)

        base_row = s * rows_per_tile
        for t in range(zero_full):
            pltpu.sync_copy(ebuf, shm.at[pl.ds(base_row + t * CB, CB)])
        if zero_rem:
            pltpu.sync_copy(ebuf.at[pl.ds(0, zero_rem)],
                            shm.at[pl.ds(base_row + zero_full * CB, zero_rem)])

        plsc.subcore_barrier()

        ebase = wid * (k_chunks * CB)

        def chunk_body(j, _):
            pltpu.sync_copy(srcp_hbm.at[wid * k_chunks + j], src_v)
            pltpu.sync_copy(dstp_hbm.at[wid * k_chunks + j], dst_v)
            gcopy = pltpu.async_copy(npre_hbm.at[src_v], gbuf, sem)
            pltpu.sync_copy(epre_hbm.at[pl.ds(ebase + j * CB, CB)], ebuf)
            gcopy.wait()

            def row_body(r, _):
                for k in range(vregs):
                    sl = pl.ds(k * LANES, LANES)
                    ebuf[r, sl] = jnp.maximum(ebuf[r, sl] + gbuf[r, sl], 0.0)
                return _

            lax.fori_loop(0, CB, row_body, None)

            pltpu.sync_copy(ebuf, shm.at[dst_v], add=True)
            return _

        lax.fori_loop(0, k_chunks, chunk_body, None)

        plsc.subcore_barrier()

        pltpu.sync_copy(shm.at[pl.ds(base_row, rows_per_tile)],
                        accm_hbm.at[c, pl.ds(base_row, rows_per_tile)])

    return sc_scatter


def _make_sc_count(n_pad, mem, k_chunks, rows_per_tile):
    mesh = plsc.VectorSubcoreMesh(core_axis_name="c", subcore_axis_name="s")
    zero_full = rows_per_tile // CB
    zero_rem = rows_per_tile - zero_full * CB

    @functools.partial(
        pl.kernel,
        mesh=mesh,
        out_type=jax.ShapeDtypeStruct((2, n_pad, mem), jnp.float32),
        scratch_types=[
            pltpu.VMEM((CB,), jnp.int32),
            pltpu.VMEM((CB, mem), jnp.float32),
            pltpu.VMEM_SHARED((n_pad, mem), jnp.float32),
        ],
    )
    def sc_count(dstp_hbm, accc_hbm, dst_v, obuf, shc):
        c = lax.axis_index("c")
        s = lax.axis_index("s")
        wid = c * 16 + s
        vregs = mem // LANES

        zvec = jnp.zeros((LANES,), jnp.float32)

        def zero_row(r, _):
            for k in range(vregs):
                obuf[r, pl.ds(k * LANES, LANES)] = zvec
            return _

        lax.fori_loop(0, CB, zero_row, None)

        base_row = s * rows_per_tile
        for t in range(zero_full):
            pltpu.sync_copy(obuf, shc.at[pl.ds(base_row + t * CB, CB)])
        if zero_rem:
            pltpu.sync_copy(obuf.at[pl.ds(0, zero_rem)],
                            shc.at[pl.ds(base_row + zero_full * CB, zero_rem)])

        onev = jnp.where(lax.iota(jnp.int32, LANES) == 0,
                         jnp.float32(1.0), jnp.float32(0.0))

        def ones_row(r, _):
            obuf[r, pl.ds(0, LANES)] = onev
            return _

        lax.fori_loop(0, CB, ones_row, None)

        plsc.subcore_barrier()

        def chunk_body(j, _):
            pltpu.sync_copy(dstp_hbm.at[wid * k_chunks + j], dst_v)
            pltpu.sync_copy(obuf, shc.at[dst_v], add=True)
            return _

        lax.fori_loop(0, k_chunks, chunk_body, None)

        plsc.subcore_barrier()

        pltpu.sync_copy(shc.at[pl.ds(base_row, rows_per_tile)],
                        accc_hbm.at[c, pl.ds(base_row, rows_per_tile)])

    return sc_count



def _final_body(accm_ref, accc_ref, nr_ref, mem_ref,
                wa1, wa2, ba, wu1, wu2, bu, wg1, wg2, bg, out_ref):
    cnt = accc_ref[0, :, 0:1] + accc_ref[1, :, 0:1]
    agg = (accm_ref[0] + accm_ref[1]) / jnp.maximum(cnt, 1.0)
    comb = jnp.maximum(
        jnp.dot(nr_ref[...], wa1[...], preferred_element_type=jnp.float32)
        + jnp.dot(agg, wa2[...], preferred_element_type=jnp.float32)
        + ba[...],
        0.0,
    )
    upd = jnp.tanh(
        jnp.dot(mem_ref[...], wu1[...], preferred_element_type=jnp.float32)
        + jnp.dot(comb, wu2[...], preferred_element_type=jnp.float32)
        + bu[...]
    )
    g_in = (
        jnp.dot(mem_ref[...], wg1[...], preferred_element_type=jnp.float32)
        + jnp.dot(upd, wg2[...], preferred_element_type=jnp.float32)
        + bg[...]
    )
    gate = 1.0 / (1.0 + jnp.exp(-g_in))
    out_ref[...] = gate * upd + (1.0 - gate) * mem_ref[...]


def _final(accm, accc, node_repr, node_memory,
           W_agg, b_agg, W_upd, b_upd, W_gate, b_gate, blk):
    n, mem = node_memory.shape
    grid = pl.cdiv(n, blk)
    wspec = pl.BlockSpec((mem, mem), lambda i: (0, 0))
    bspec = pl.BlockSpec((1, mem), lambda i: (0, 0))
    return pl.pallas_call(
        _final_body,
        grid=(grid,),
        in_specs=[
            pl.BlockSpec((2, blk, mem), lambda i: (0, i, 0)),
            pl.BlockSpec((2, blk, mem), lambda i: (0, i, 0)),
            pl.BlockSpec((blk, mem), lambda i: (i, 0)),
            pl.BlockSpec((blk, mem), lambda i: (i, 0)),
            wspec, wspec, bspec, wspec, wspec, bspec, wspec, wspec, bspec,
        ],
        out_specs=pl.BlockSpec((blk, mem), lambda i: (i, 0)),
        out_shape=jax.ShapeDtypeStruct((n, mem), jnp.float32),
    )(accm, accc, node_repr, node_memory,
      W_agg[:mem], W_agg[mem:], b_agg.reshape(1, mem),
      W_upd[:mem], W_upd[mem:], b_upd.reshape(1, mem),
      W_gate[:mem], W_gate[mem:], b_gate.reshape(1, mem))



def kernel(node_memory, node_features, edge_index, edge_features, time_encoding,
           W_read, b_read, W_msg, b_msg, W_agg, b_agg, W_upd, b_upd,
           W_gate, b_gate):
    n, mem = node_memory.shape
    e = edge_index.shape[1]
    de = edge_features.shape[1]

    ept = pl.cdiv(e, NW)
    k_chunks = pl.cdiv(ept, CB)
    ept = k_chunks * CB
    e_pad = NW * ept

    rows_per_tile = pl.cdiv(n + 1, 16 * 8) * 8
    n_pad = 16 * rows_per_tile

    src = edge_index[0]
    dst = edge_index[1]
    pad = e_pad - e
    srcp = jnp.concatenate(
        [src, jnp.zeros((pad,), jnp.int32)]).reshape(NW * k_chunks, CB)
    dstp = jnp.concatenate(
        [dst, jnp.full((pad,), n, jnp.int32)]).reshape(NW * k_chunks, CB)

    node_repr, node_pre = _node_prep(
        node_memory, node_features, W_read, b_read, W_msg[:mem], blk=1000)
    edge_pre = _edge_pre(
        edge_features, time_encoding,
        W_msg[mem:mem + de], W_msg[mem + de:], b_msg, e_pad, blk=4096)

    sc = _make_sc_scatter(n_pad, mem, k_chunks, rows_per_tile)
    accm = sc(node_pre, srcp, dstp, edge_pre)
    sc_cnt = _make_sc_count(n_pad, mem, k_chunks, rows_per_tile)
    accc = sc_cnt(dstp)

    return _final(accm, accc, node_repr, node_memory,
                  W_agg, b_agg, W_upd, b_upd, W_gate, b_gate, blk=1000)

# --- scband reference (transcript-rebuilt; emitter-appended) ---
"""Pipeline reference for scband-dual-directed-message-passing-layer-28913719837268 (READ-ONLY COPY).

The authoritative reference and input builder live on the scoring server;
editing this copy changes nothing except your own understanding.
"""

import jax, jax.numpy as jnp
import numpy as np

N = 10000
E = 320000
MEM = 128
FEAT = 128
EDGE = 16
TIME = 16


def _w(key, fan_in, fan_out):
    return jax.random.normal(key, (fan_in, fan_out), dtype=jnp.float32) * (1.0 / np.sqrt(fan_in))


def setup_inputs(seed: int = 0) -> dict:
    key = jax.random.key(seed)
    ks = jax.random.split(key, 16)
    inp = {}
    inp["node_memory"] = jax.random.normal(ks[0], (N, MEM), dtype=jnp.float32)
    inp["node_features"] = jax.random.normal(ks[1], (N, FEAT), dtype=jnp.float32)
    inp["edge_index"] = jax.random.randint(ks[2], (2, E), 0, N, dtype=jnp.int32)
    inp["edge_features"] = jax.random.normal(ks[3], (E, EDGE), dtype=jnp.float32)
    inp["time_encoding"] = jax.random.normal(ks[4], (E, TIME), dtype=jnp.float32)
    # learned parameters
    inp["W_read"] = _w(ks[5], MEM + FEAT, MEM)
    inp["b_read"] = jnp.zeros((MEM,), dtype=jnp.float32)
    inp["W_msg"] = _w(ks[6], MEM + EDGE + TIME, MEM)
    inp["b_msg"] = jnp.zeros((MEM,), dtype=jnp.float32)
    inp["W_agg"] = _w(ks[7], MEM + MEM, MEM)
    inp["b_agg"] = jnp.zeros((MEM,), dtype=jnp.float32)
    inp["W_upd"] = _w(ks[8], MEM + MEM, MEM)
    inp["b_upd"] = jnp.zeros((MEM,), dtype=jnp.float32)
    inp["W_gate"] = _w(ks[9], MEM + MEM, MEM)
    inp["b_gate"] = jnp.zeros((MEM,), dtype=jnp.float32)
    return inp


def reference(node_memory, node_features, edge_index, edge_features, time_encoding,
              W_read, b_read, W_msg, b_msg, W_agg, b_agg, W_upd, b_upd, W_gate, b_gate):
    n = node_memory.shape[0]
    src = edge_index[0]
    dst = edge_index[1]
    # source/dest memory readout (shared weights: dest_memory_readout_config is None)
    node_repr = jax.nn.relu(jnp.concatenate([node_memory, node_features], axis=-1) @ W_read + b_read)
    # message builder: source repr gathered to edges, fused with edge features + time encoding
    msg_in = jnp.concatenate([jnp.take(node_repr, src, axis=0), edge_features, time_encoding], axis=-1)
    msg = jax.nn.relu(msg_in @ W_msg + b_msg)
    # message aggregator: scatter-mean over destination nodes, fused with dest readout
    agg_sum = jax.ops.segment_sum(msg, dst, num_segments=n)
    cnt = jax.ops.segment_sum(jnp.ones((msg.shape[0], 1), dtype=msg.dtype), dst, num_segments=n)
    agg = agg_sum / jnp.maximum(cnt, 1.0)
    combined = jax.nn.relu(jnp.concatenate([node_repr, agg], axis=-1) @ W_agg + b_agg)
    # memory updater
    updated = jnp.tanh(jnp.concatenate([node_memory, combined], axis=-1) @ W_upd + b_upd)
    # gated memory write-in
    gate = jax.nn.sigmoid(jnp.concatenate([node_memory, updated], axis=-1) @ W_gate + b_gate)
    new_memory = gate * updated + (1.0 - gate) * node_memory
    return new_memory

if __name__ == "__main__":
    import jax
    _d = setup_inputs()
    print(jax.jit(kernel)(*tuple(_d.values())))

</pallas_src>

<mosaic_0001>
#map = affine_map<(d0, d1) -> (0, 0)>
#map1 = affine_map<(d0, d1) -> (0, 0, 0)>
module attributes {stable_mosaic.version = 14 : i64} {
  func.func @sc_scatter(%arg0: i32, %arg1: i32, %arg2: memref<10000x128xf32, #tpu.memory_space<hbm>>, %arg3: memref<2528x128xi32, #tpu.memory_space<hbm>>, %arg4: memref<2528x128xi32, #tpu.memory_space<hbm>>, %arg5: memref<323584x128xf32, #tpu.memory_space<hbm>>, %arg6: memref<2x10112x128xf32, #tpu.memory_space<hbm>>, %arg7: memref<128xi32, #tpu.memory_space<vmem>>, %arg8: memref<128xi32, #tpu.memory_space<vmem>>, %arg9: memref<128x128xf32, #tpu.memory_space<vmem>>, %arg10: memref<128x128xf32, #tpu.memory_space<vmem>>, %arg11: memref<10112x128xf32, #tpu.memory_space<vmem_shared>>, %arg12: memref<!tpu.dma_semaphore, #tpu.memory_space<semaphore_mem>>) attributes {dimension_semantics = [#tpu.dimension_semantics<core_parallel>, #tpu.dimension_semantics<subcore_parallel>], iteration_bounds = array<i64: 2, 16>, scalar_prefetch = 0 : i64, scratch_operands = 6 : i64, tpu.core_type = #tpu.core_type<sc_vector_subcore>, window_params = [{transform_indices = #map}, {transform_indices = #map}, {transform_indices = #map}, {transform_indices = #map}, {transform_indices = #map1}]} {
    %mul3A = arith.constant 16 : i32
    %mul3A_0 = arith.muli %arg0, %mul3A : i32
    %add3A = arith.addi %mul3A_0, %arg1 : i32
    %broadcast_in_dim3A = arith.constant 0.000000e+00 : f32
    %broadcast_in_dim3A_1 = vector.broadcast %broadcast_in_dim3A : f32 to vector<16xf32>
    %scan3A = arith.constant 0 : i32
    %scan3A_2 = arith.constant 128 : i32
    %scan3A_3 = arith.addi %scan3A, %scan3A_2 : i32
    %scan3A_4 = arith.constant 1 : i32
    scf.for %scan3A_26 = %scan3A to %scan3A_3 step %scan3A_4  : i32 {
      %swap3A = arith.index_cast %scan3A_26 : i32 to index
      %swap3A_27 = arith.constant 0 : index
      %swap3A_28 = tpu.vector_load %arg10[%swap3A, %swap3A_27] {strides = array<i32>} : memref<128x128xf32, #tpu.memory_space<vmem>>, vector<1x16xf32>,
      %swap3A_29 = vector.shape_cast %swap3A_28 : vector<1x16xf32> to vector<16xf32>
      %swap3A_30 = vector.shape_cast %broadcast_in_dim3A_1 : vector<16xf32> to vector<1x16xf32>
      tpu.vector_store %arg10[%swap3A, %swap3A_27], %swap3A_30 {strides = array<i32>} : memref<128x128xf32, #tpu.memory_space<vmem>>, vector<1x16xf32>,
      %swap3A_31 = arith.index_cast %scan3A_26 : i32 to index
      %swap3A_32 = arith.constant 16 : index
      %swap3A_33 = tpu.vector_load %arg10[%swap3A_31, %swap3A_32] {strides = array<i32>} : memref<128x128xf32, #tpu.memory_space<vmem>>, vector<1x16xf32>,
      %swap3A_34 = vector.shape_cast %swap3A_33 : vector<1x16xf32> to vector<16xf32>
      %swap3A_35 = vector.shape_cast %broadcast_in_dim3A_1 : vector<16xf32> to vector<1x16xf32>
      tpu.vector_store %arg10[%swap3A_31, %swap3A_32], %swap3A_35 {strides = array<i32>} : memref<128x128xf32, #tpu.memory_space<vmem>>, vector<1x16xf32>,
      %swap3A_36 = arith.index_cast %scan3A_26 : i32 to index
      %swap3A_37 = arith.constant 32 : index
      %swap3A_38 = tpu.vector_load %arg10[%swap3A_36, %swap3A_37] {strides = array<i32>} : memref<128x128xf32, #tpu.memory_space<vmem>>, vector<1x16xf32>,
      %swap3A_39 = vector.shape_cast %swap3A_38 : vector<1x16xf32> to vector<16xf32>
      %swap3A_40 = vector.shape_cast %broadcast_in_dim3A_1 : vector<16xf32> to vector<1x16xf32>
      tpu.vector_store %arg10[%swap3A_36, %swap3A_37], %swap3A_40 {strides = array<i32>} : memref<128x128xf32, #tpu.memory_space<vmem>>, vector<1x16xf32>,
      %swap3A_41 = arith.index_cast %scan3A_26 : i32 to index
      %swap3A_42 = arith.constant 48 : index
      %swap3A_43 = tpu.vector_load %arg10[%swap3A_41, %swap3A_42] {strides = array<i32>} : memref<128x128xf32, #tpu.memory_space<vmem>>, vector<1x16xf32>,
      %swap3A_44 = vector.shape_cast %swap3A_43 : vector<1x16xf32> to vector<16xf32>
      %swap3A_45 = vector.shape_cast %broadcast_in_dim3A_1 : vector<16xf32> to vector<1x16xf32>
      tpu.vector_store %arg10[%swap3A_41, %swap3A_42], %swap3A_45 {strides = array<i32>} : memref<128x128xf32, #tpu.memory_space<vmem>>, vector<1x16xf32>,
      %swap3A_46 = arith.index_cast %scan3A_26 : i32 to index
      %swap3A_47 = arith.constant 64 : index
      %swap3A_48 = tpu.vector_load %arg10[%swap3A_46, %swap3A_47] {strides = array<i32>} : memref<128x128xf32, #tpu.memory_space<vmem>>, vector<1x16xf32>,
      %swap3A_49 = vector.shape_cast %swap3A_48 : vector<1x16xf32> to vector<16xf32>
      %swap3A_50 = vector.shape_cast %broadcast_in_dim3A_1 : vector<16xf32> to vector<1x16xf32>
      tpu.vector_store %arg10[%swap3A_46, %swap3A_47], %swap3A_50 {strides = array<i32>} : memref<128x128xf32, #tpu.memory_space<vmem>>, vector<1x16xf32>,
      %swap3A_51 = arith.index_cast %scan3A_26 : i32 to index
      %swap3A_52 = arith.constant 80 : index
      %swap3A_53 = tpu.vector_load %arg10[%swap3A_51, %swap3A_52] {strides = array<i32>} : memref<128x128xf32, #tpu.memory_space<vmem>>, vector<1x16xf32>,
      %swap3A_54 = vector.shape_cast %swap3A_53 : vector<1x16xf32> to vector<16xf32>
      %swap3A_55 = vector.shape_cast %broadcast_in_dim3A_1 : vector<16xf32> to vector<1x16xf32>
      tpu.vector_store %arg10[%swap3A_51, %swap3A_52], %swap3A_55 {strides = array<i32>} : memref<128x128xf32, #tpu.memory_space<vmem>>, vector<1x16xf32>,
      %swap3A_56 = arith.index_cast %scan3A_26 : i32 to index
      %swap3A_57 = arith.constant 96 : index
      %swap3A_58 = tpu.vector_load %arg10[%swap3A_56, %swap3A_57] {strides = array<i32>} : memref<128x128xf32, #tpu.memory_space<vmem>>, vector<1x16xf32>,
      %swap3A_59 = vector.shape_cast %swap3A_58 : vector<1x16xf32> to vector<16xf32>
      %swap3A_60 = vector.shape_cast %broadcast_in_dim3A_1 : vector<16xf32> to vector<1x16xf32>
      tpu.vector_store %arg10[%swap3A_56, %swap3A_57], %swap3A_60 {strides = array<i32>} : memref<128x128xf32, #tpu.memory_space<vmem>>, vector<1x16xf32>,
      %swap3A_61 = arith.index_cast %scan3A_26 : i32 to index
      %swap3A_62 = arith.constant 112 : index
      %swap3A_63 = tpu.vector_load %arg10[%swap3A_61, %swap3A_62] {strides = array<i32>} : memref<128x128xf32, #tpu.memory_space<vmem>>, vector<1x16xf32>,
      %swap3A_64 = vector.shape_cast %swap3A_63 : vector<1x16xf32> to vector<16xf32>
      %swap3A_65 = vector.shape_cast %broadcast_in_dim3A_1 : vector<16xf32> to vector<1x16xf32>
      tpu.vector_store %arg10[%swap3A_61, %swap3A_62], %swap3A_65 {strides = array<i32>} : memref<128x128xf32, #tpu.memory_space<vmem>>, vector<1x16xf32>,
    }
    %scan3A_5 = arith.constant 128 : i32
    %mul3A_6 = arith.constant 632 : i32
    %mul3A_7 = arith.muli %arg1, %mul3A_6 : i32
    %add3A_8 = arith.constant 0 : i32
    %add3A_9 = arith.addi %mul3A_7, %add3A_8 : i32
    "tpu.region"() ({
      %run_scoped3A = tpu.sem_alloc : memref<!tpu.dma_semaphore, #tpu.memory_space<semaphore_mem>>
      %dma_start3A = arith.constant 0 : i32
      %dma_start3A_26 = tpu.memref_slice %arg11[%add3A_9, %dma_start3A] : memref<10112x128xf32, #tpu.memory_space<vmem_shared>> -> memref<128x128xf32, #tpu.memory_space<vmem_shared>>
      %dma_start3A_27 = arith.constant 0 : i32
      %dma_start3A_28 = tpu.memref_slice %arg11[%add3A_9, %dma_start3A_27] : memref<10112x128xf32, #tpu.memory_space<vmem_shared>> -> memref<128x128xf32, #tpu.memory_space<vmem_shared>>
      tpu.enqueue_dma source(%arg10 : memref<128x128xf32, #tpu.memory_space<vmem>>) target(%dma_start3A_28 : memref<128x128xf32, #tpu.memory_space<vmem_shared>>) target_semaphore(%run_scoped3A : memref<!tpu.dma_semaphore, #tpu.memory_space<semaphore_mem>>)
      %dma_wait3A = arith.constant 0 : i32
      %dma_wait3A_29 = tpu.memref_slice %arg11[%add3A_9, %dma_wait3A] : memref<10112x128xf32, #tpu.memory_space<vmem_shared>> -> memref<128x128xf32, #tpu.memory_space<vmem_shared>>
      %dma_wait3A_30 = arith.constant 0 : i32
      %dma_wait3A_31 = tpu.memref_slice %arg11[%add3A_9, %dma_wait3A_30] : memref<10112x128xf32, #tpu.memory_space<vmem_shared>> -> memref<128x128xf32, #tpu.memory_space<vmem_shared>>
      tpu.wait_dma2 semaphore(%run_scoped3A : memref<!tpu.dma_semaphore, #tpu.memory_space<semaphore_mem>>) src(%arg10 : memref<128x128xf32, #tpu.memory_space<vmem>>) dst(%dma_wait3A_31 : memref<128x128xf32, #tpu.memory_space<vmem_shared>>)
      tpu.yield
    }) : () -> ()
    %add3A_10 = arith.constant 128 : i32
    %add3A_11 = arith.addi %mul3A_7, %add3A_10 : i32
    "tpu.region"() ({
      %run_scoped3A = tpu.sem_alloc : memref<!tpu.dma_semaphore, #tpu.memory_space<semaphore_mem>>
      %dma_start3A = arith.constant 0 : i32
      %dma_start3A_26 = tpu.memref_slice %arg11[%add3A_11, %dma_start3A] : memref<10112x128xf32, #tpu.memory_space<vmem_shared>> -> memref<128x128xf32, #tpu.memory_space<vmem_shared>>
      %dma_start3A_27 = arith.constant 0 : i32
      %dma_start3A_28 = tpu.memref_slice %arg11[%add3A_11, %dma_start3A_27] : memref<10112x128xf32, #tpu.memory_space<vmem_shared>> -> memref<128x128xf32, #tpu.memory_space<vmem_shared>>
      tpu.enqueue_dma source(%arg10 : memref<128x128xf32, #tpu.memory_space<vmem>>) target(%dma_start3A_28 : memref<128x128xf32, #tpu.memory_space<vmem_shared>>) target_semaphore(%run_scoped3A : memref<!tpu.dma_semaphore, #tpu.memory_space<semaphore_mem>>)
      %dma_wait3A = arith.constant 0 : i32
      %dma_wait3A_29 = tpu.memref_slice %arg11[%add3A_11, %dma_wait3A] : memref<10112x128xf32, #tpu.memory_space<vmem_shared>> -> memref<128x128xf32, #tpu.memory_space<vmem_shared>>
      %dma_wait3A_30 = arith.constant 0 : i32
      %dma_wait3A_31 = tpu.memref_slice %arg11[%add3A_11, %dma_wait3A_30] : memref<10112x128xf32, #tpu.memory_space<vmem_shared>> -> memref<128x128xf32, #tpu.memory_space<vmem_shared>>
      tpu.wait_dma2 semaphore(%run_scoped3A : memref<!tpu.dma_semaphore, #tpu.memory_space<semaphore_mem>>) src(%arg10 : memref<128x128xf32, #tpu.memory_space<vmem>>) dst(%dma_wait3A_31 : memref<128x128xf32, #tpu.memory_space<vmem_shared>>)
      tpu.yield
    }) : () -> ()
    %add3A_12 = arith.constant 256 : i32
    %add3A_13 = arith.addi %mul3A_7, %add3A_12 : i32
    "tpu.region"() ({
      %run_scoped3A = tpu.sem_alloc : memref<!tpu.dma_semaphore, #tpu.memory_space<semaphore_mem>>
      %dma_start3A = arith.constant 0 : i32
      %dma_start3A_26 = tpu.memref_slice %arg11[%add3A_13, %dma_start3A] : memref<10112x128xf32, #tpu.memory_space<vmem_shared>> -> memref<128x128xf32, #tpu.memory_space<vmem_shared>>
      %dma_start3A_27 = arith.constant 0 : i32
      %dma_start3A_28 = tpu.memref_slice %arg11[%add3A_13, %dma_start3A_27] : memref<10112x128xf32, #tpu.memory_space<vmem_shared>> -> memref<128x128xf32, #tpu.memory_space<vmem_shared>>
      tpu.enqueue_dma source(%arg10 : memref<128x128xf32, #tpu.memory_space<vmem>>) target(%dma_start3A_28 : memref<128x128xf32, #tpu.memory_space<vmem_shared>>) target_semaphore(%run_scoped3A : memref<!tpu.dma_semaphore, #tpu.memory_space<semaphore_mem>>)
      %dma_wait3A = arith.constant 0 : i32
      %dma_wait3A_29 = tpu.memref_slice %arg11[%add3A_13, %dma_wait3A] : memref<10112x128xf32, #tpu.memory_space<vmem_shared>> -> memref<128x128xf32, #tpu.memory_space<vmem_shared>>
      %dma_wait3A_30 = arith.constant 0 : i32
      %dma_wait3A_31 = tpu.memref_slice %arg11[%add3A_13, %dma_wait3A_30] : memref<10112x128xf32, #tpu.memory_space<vmem_shared>> -> memref<128x128xf32, #tpu.memory_space<vmem_shared>>
      tpu.wait_dma2 semaphore(%run_scoped3A : memref<!tpu.dma_semaphore, #tpu.memory_space<semaphore_mem>>) src(%arg10 : memref<128x128xf32, #tpu.memory_space<vmem>>) dst(%dma_wait3A_31 : memref<128x128xf32, #tpu.memory_space<vmem_shared>>)
      tpu.yield
    }) : () -> ()
    %add3A_14 = arith.constant 384 : i32
    %add3A_15 = arith.addi %mul3A_7, %add3A_14 : i32
    "tpu.region"() ({
      %run_scoped3A = tpu.sem_alloc : memref<!tpu.dma_semaphore, #tpu.memory_space<semaphore_mem>>
      %dma_start3A = arith.constant 0 : i32
      %dma_start3A_26 = tpu.memref_slice %arg11[%add3A_15, %dma_start3A] : memref<10112x128xf32, #tpu.memory_space<vmem_shared>> -> memref<128x128xf32, #tpu.memory_space<vmem_shared>>
      %dma_start3A_27 = arith.constant 0 : i32
      %dma_start3A_28 = tpu.memref_slice %arg11[%add3A_15, %dma_start3A_27] : memref<10112x128xf32, #tpu.memory_space<vmem_shared>> -> memref<128x128xf32, #tpu.memory_space<vmem_shared>>
      tpu.enqueue_dma source(%arg10 : memref<128x128xf32, #tpu.memory_space<vmem>>) target(%dma_start3A_28 : memref<128x128xf32, #tpu.memory_space<vmem_shared>>) target_semaphore(%run_scoped3A : memref<!tpu.dma_semaphore, #tpu.memory_space<semaphore_mem>>)
      %dma_wait3A = arith.constant 0 : i32
      %dma_wait3A_29 = tpu.memref_slice %arg11[%add3A_15, %dma_wait3A] : memref<10112x128xf32, #tpu.memory_space<vmem_shared>> -> memref<128x128xf32, #tpu.memory_space<vmem_shared>>
      %dma_wait3A_30 = arith.constant 0 : i32
      %dma_wait3A_31 = tpu.memref_slice %arg11[%add3A_15, %dma_wait3A_30] : memref<10112x128xf32, #tpu.memory_space<vmem_shared>> -> memref<128x128xf32, #tpu.memory_space<vmem_shared>>
      tpu.wait_dma2 semaphore(%run_scoped3A : memref<!tpu.dma_semaphore, #tpu.memory_space<semaphore_mem>>) src(%arg10 : memref<128x128xf32, #tpu.memory_space<vmem>>) dst(%dma_wait3A_31 : memref<128x128xf32, #tpu.memory_space<vmem_shared>>)
      tpu.yield
    }) : () -> ()
    %add3A_16 = arith.constant 512 : i32
    %add3A_17 = arith.addi %mul3A_7, %add3A_16 : i32
    "tpu.region"() ({
      %run_scoped3A = tpu.sem_alloc : memref<!tpu.dma_semaphore, #tpu.memory_space<semaphore_mem>>
      %dma_start3A = arith.constant 0 : i32
      %dma_start3A_26 = arith.constant 0 : i32
      %dma_start3A_27 = tpu.memref_slice %arg10[%dma_start3A, %dma_start3A_26] : memref<128x128xf32, #tpu.memory_space<vmem>> -> memref<120x128xf32, #tpu.memory_space<vmem>>
      %dma_start3A_28 = arith.constant 0 : i32
      %dma_start3A_29 = tpu.memref_slice %arg11[%add3A_17, %dma_start3A_28] : memref<10112x128xf32, #tpu.memory_space<vmem_shared>> -> memref<120x128xf32, #tpu.memory_space<vmem_shared>>
      %dma_start3A_30 = arith.constant 0 : i32
      %dma_start3A_31 = tpu.memref_slice %arg11[%add3A_17, %dma_start3A_30] : memref<10112x128xf32, #tpu.memory_space<vmem_shared>> -> memref<120x128xf32, #tpu.memory_space<vmem_shared>>
      %dma_start3A_32 = arith.constant 0 : i32
      %dma_start3A_33 = arith.constant 0 : i32
      %dma_start3A_34 = tpu.memref_slice %arg10[%dma_start3A_32, %dma_start3A_33] : memref<128x128xf32, #tpu.memory_space<vmem>> -> memref<120x128xf32, #tpu.memory_space<vmem>>
      tpu.enqueue_dma source(%dma_start3A_34 : memref<120x128xf32, #tpu.memory_space<vmem>>) target(%dma_start3A_31 : memref<120x128xf32, #tpu.memory_space<vmem_shared>>) target_semaphore(%run_scoped3A : memref<!tpu.dma_semaphore, #tpu.memory_space<semaphore_mem>>)
      %dma_wait3A = arith.constant 0 : i32
      %dma_wait3A_35 = arith.constant 0 : i32
      %dma_wait3A_36 = tpu.memref_slice %arg10[%dma_wait3A, %dma_wait3A_35] : memref<128x128xf32, #tpu.memory_space<vmem>> -> memref<120x128xf32, #tpu.memory_space<vmem>>
      %dma_wait3A_37 = arith.constant 0 : i32
      %dma_wait3A_38 = tpu.memref_slice %arg11[%add3A_17, %dma_wait3A_37] : memref<10112x128xf32, #tpu.memory_space<vmem_shared>> -> memref<120x128xf32, #tpu.memory_space<vmem_shared>>
      %dma_wait3A_39 = arith.constant 0 : i32
      %dma_wait3A_40 = tpu.memref_slice %arg11[%add3A_17, %dma_wait3A_39] : memref<10112x128xf32, #tpu.memory_space<vmem_shared>> -> memref<120x128xf32, #tpu.memory_space<vmem_shared>>
      %dma_wait3A_41 = arith.constant 0 : i32
      %dma_wait3A_42 = arith.constant 0 : i32
      %dma_wait3A_43 = tpu.memref_slice %arg10[%dma_wait3A_41, %dma_wait3A_42] : memref<128x128xf32, #tpu.memory_space<vmem>> -> memref<120x128xf32, #tpu.memory_space<vmem>>
      tpu.wait_dma2 semaphore(%run_scoped3A : memref<!tpu.dma_semaphore, #tpu.memory_space<semaphore_mem>>) src(%dma_wait3A_43 : memref<120x128xf32, #tpu.memory_space<vmem>>) dst(%dma_wait3A_40 : memref<120x128xf32, #tpu.memory_space<vmem_shared>>)
      tpu.yield
    }) : () -> ()
    %barrier3A = arith.constant 0 : index
    tpu.barrier barrier_id(%barrier3A)
    %mul3A_18 = arith.constant 10112 : i32
    %mul3A_19 = arith.muli %add3A, %mul3A_18 : i32
    %scan3A_20 = arith.constant 0 : i32
    %scan3A_21 = arith.constant 79 : i32
    %scan3A_22 = arith.addi %scan3A_20, %scan3A_21 : i32
    %scan3A_23 = arith.constant 1 : i32
    scf.for %scan3A_26 = %scan3A_20 to %scan3A_22 step %scan3A_23  : i32 {
      %mul3A_27 = arith.constant 79 : i32
      %mul3A_28 = arith.muli %add3A, %mul3A_27 : i32
      %add3A_29 = arith.addi %mul3A_28, %scan3A_26 : i32
      "tpu.region"() ({
        %run_scoped3A = tpu.sem_alloc : memref<!tpu.dma_semaphore, #tpu.memory_space<semaphore_mem>>
        %dma_start3A_45 = arith.constant 0 : i32
        %dma_start3A_46 = tpu.memref_slice %arg3[%add3A_29, %dma_start3A_45] : memref<2528x128xi32, #tpu.memory_space<hbm>> -> memref<1x128xi32, #tpu.memory_space<hbm>>
        %dma_start3A_47 = tpu.memref_squeeze %dma_start3A_46 : memref<1x128xi32, #tpu.memory_space<hbm>> -> memref<128xi32, #tpu.memory_space<hbm>>
        %dma_start3A_48 = arith.constant 0 : i32
        %dma_start3A_49 = tpu.memref_slice %arg3[%add3A_29, %dma_start3A_48] : memref<2528x128xi32, #tpu.memory_space<hbm>> -> memref<1x128xi32, #tpu.memory_space<hbm>>
        %dma_start3A_50 = tpu.memref_squeeze %dma_start3A_49 : memref<1x128xi32, #tpu.memory_space<hbm>> -> memref<128xi32, #tpu.memory_space<hbm>>
        tpu.enqueue_dma source(%dma_start3A_50 : memref<128xi32, #tpu.memory_space<hbm>>) target(%arg7 : memref<128xi32, #tpu.memory_space<vmem>>) target_semaphore(%run_scoped3A : memref<!tpu.dma_semaphore, #tpu.memory_space<semaphore_mem>>)
        %dma_wait3A_51 = arith.constant 0 : i32
        %dma_wait3A_52 = tpu.memref_slice %arg3[%add3A_29, %dma_wait3A_51] : memref<2528x128xi32, #tpu.memory_space<hbm>> -> memref<1x128xi32, #tpu.memory_space<hbm>>
        %dma_wait3A_53 = tpu.memref_squeeze %dma_wait3A_52 : memref<1x128xi32, #tpu.memory_space<hbm>> -> memref<128xi32, #tpu.memory_space<hbm>>
        %dma_wait3A_54 = arith.constant 0 : i32
        %dma_wait3A_55 = tpu.memref_slice %arg3[%add3A_29, %dma_wait3A_54] : memref<2528x128xi32, #tpu.memory_space<hbm>> -> memref<1x128xi32, #tpu.memory_space<hbm>>
        %dma_wait3A_56 = tpu.memref_squeeze %dma_wait3A_55 : memref<1x128xi32, #tpu.memory_space<hbm>> -> memref<128xi32, #tpu.memory_space<hbm>>
        tpu.wait_dma2 semaphore(%run_scoped3A : memref<!tpu.dma_semaphore, #tpu.memory_space<semaphore_mem>>) src(%dma_wait3A_56 : memref<128xi32, #tpu.memory_space<hbm>>) dst(%arg7 : memref<128xi32, #tpu.memory_space<vmem>>)
        tpu.yield
      }) : () -> ()
      %mul3A_30 = arith.constant 79 : i32
      %mul3A_31 = arith.muli %add3A, %mul3A_30 : i32
      %add3A_32 = arith.addi %mul3A_31, %scan3A_26 : i32
      "tpu.region"() ({
        %run_scoped3A = tpu.sem_alloc : memref<!tpu.dma_semaphore, #tpu.memory_space<semaphore_mem>>
        %dma_start3A_45 = arith.constant 0 : i32
        %dma_start3A_46 = tpu.memref_slice %arg4[%add3A_32, %dma_start3A_45] : memref<2528x128xi32, #tpu.memory_space<hbm>> -> memref<1x128xi32, #tpu.memory_space<hbm>>
        %dma_start3A_47 = tpu.memref_squeeze %dma_start3A_46 : memref<1x128xi32, #tpu.memory_space<hbm>> -> memref<128xi32, #tpu.memory_space<hbm>>
        %dma_start3A_48 = arith.constant 0 : i32
        %dma_start3A_49 = tpu.memref_slice %arg4[%add3A_32, %dma_start3A_48] : memref<2528x128xi32, #tpu.memory_space<hbm>> -> memref<1x128xi32, #tpu.memory_space<hbm>>
        %dma_start3A_50 = tpu.memref_squeeze %dma_start3A_49 : memref<1x128xi32, #tpu.memory_space<hbm>> -> memref<128xi32, #tpu.memory_space<hbm>>
        tpu.enqueue_dma source(%dma_start3A_50 : memref<128xi32, #tpu.memory_space<hbm>>) target(%arg8 : memref<128xi32, #tpu.memory_space<vmem>>) target_semaphore(%run_scoped3A : memref<!tpu.dma_semaphore, #tpu.memory_space<semaphore_mem>>)
        %dma_wait3A_51 = arith.constant 0 : i32
        %dma_wait3A_52 = tpu.memref_slice %arg4[%add3A_32, %dma_wait3A_51] : memref<2528x128xi32, #tpu.memory_space<hbm>> -> memref<1x128xi32, #tpu.memory_space<hbm>>
        %dma_wait3A_53 = tpu.memref_squeeze %dma_wait3A_52 : memref<1x128xi32, #tpu.memory_space<hbm>> -> memref<128xi32, #tpu.memory_space<hbm>>
        %dma_wait3A_54 = arith.constant 0 : i32
        %dma_wait3A_55 = tpu.memref_slice %arg4[%add3A_32, %dma_wait3A_54] : memref<2528x128xi32, #tpu.memory_space<hbm>> -> memref<1x128xi32, #tpu.memory_space<hbm>>
        %dma_wait3A_56 = tpu.memref_squeeze %dma_wait3A_55 : memref<1x128xi32, #tpu.memory_space<hbm>> -> memref<128xi32, #tpu.memory_space<hbm>>
        tpu.wait_dma2 semaphore(%run_scoped3A : memref<!tpu.dma_semaphore, #tpu.memory_space<semaphore_mem>>) src(%dma_wait3A_56 : memref<128xi32, #tpu.memory_space<hbm>>) dst(%arg8 : memref<128xi32, #tpu.memory_space<vmem>>)
        tpu.yield
      }) : () -> ()
      %dma_start3A = arith.constant 0 : i32
      %dma_start3A_33 = arith.constant 0 : i32
      %dma_start3A_34 = tpu.memref_slice %arg2[%dma_start3A, %dma_start3A_33] : memref<10000x128xf32, #tpu.memory_space<hbm>> -> memref<10000x128xf32, #tpu.memory_space<hbm>>
      tpu.enqueue_indirect_dma source(%dma_start3A_34 : memref<10000x128xf32, #tpu.memory_space<hbm>>) target(%arg9 : memref<128x128xf32, #tpu.memory_space<vmem>>) offsets(%arg7 : memref<128xi32, #tpu.memory_space<vmem>>) semaphore(%arg12 : memref<!tpu.dma_semaphore, #tpu.memory_space<semaphore_mem>>)
      %mul3A_35 = arith.constant 128 : i32
      %mul3A_36 = arith.muli %scan3A_26, %mul3A_35 : i32
      %add3A_37 = arith.addi %mul3A_19, %mul3A_36 : i32
      "tpu.region"() ({
        %run_scoped3A = tpu.sem_alloc : memref<!tpu.dma_semaphore, #tpu.memory_space<semaphore_mem>>
        %dma_start3A_45 = arith.constant 0 : i32
        %dma_start3A_46 = tpu.memref_slice %arg5[%add3A_37, %dma_start3A_45] : memref<323584x128xf32, #tpu.memory_space<hbm>> -> memref<128x128xf32, #tpu.memory_space<hbm>>
        %dma_start3A_47 = arith.constant 0 : i32
        %dma_start3A_48 = tpu.memref_slice %arg5[%add3A_37, %dma_start3A_47] : memref<323584x128xf32, #tpu.memory_space<hbm>> -> memref<128x128xf32, #tpu.memory_space<hbm>>
        tpu.enqueue_dma source(%dma_start3A_48 : memref<128x128xf32, #tpu.memory_space<hbm>>) target(%arg10 : memref<128x128xf32, #tpu.memory_space<vmem>>) target_semaphore(%run_scoped3A : memref<!tpu.dma_semaphore, #tpu.memory_space<semaphore_mem>>)
        %dma_wait3A_49 = arith.constant 0 : i32
        %dma_wait3A_50 = tpu.memref_slice %arg5[%add3A_37, %dma_wait3A_49] : memref<323584x128xf32, #tpu.memory_space<hbm>> -> memref<128x128xf32, #tpu.memory_space<hbm>>
        %dma_wait3A_51 = arith.constant 0 : i32
        %dma_wait3A_52 = tpu.memref_slice %arg5[%add3A_37, %dma_wait3A_51] : memref<323584x128xf32, #tpu.memory_space<hbm>> -> memref<128x128xf32, #tpu.memory_space<hbm>>
        tpu.wait_dma2 semaphore(%run_scoped3A : memref<!tpu.dma_semaphore, #tpu.memory_space<semaphore_mem>>) src(%dma_wait3A_52 : memref<128x128xf32, #tpu.memory_space<hbm>>) dst(%arg10 : memref<128x128xf32, #tpu.memory_space<vmem>>)
        tpu.yield
      }) : () -> ()
      %dma_wait3A = arith.constant 0 : i32
      %dma_wait3A_38 = arith.constant 0 : i32
      %dma_wait3A_39 = tpu.memref_slice %arg2[%dma_wait3A, %dma_wait3A_38] : memref<10000x128xf32, #tpu.memory_space<hbm>> -> memref<10000x128xf32, #tpu.memory_space<hbm>>
      tpu.wait_indirect_dma semaphore(%arg12 : memref<!tpu.dma_semaphore, #tpu.memory_space<semaphore_mem>>) src(%dma_wait3A_39 : memref<10000x128xf32, #tpu.memory_space<hbm>>) dst(%arg9 : memref<128x128xf32, #tpu.memory_space<vmem>>)
      %scan3A_40 = arith.constant 0 : i32
      %scan3A_41 = arith.constant 128 : i32
      %scan3A_42 = arith.addi %scan3A_40, %scan3A_41 : i32
      %scan3A_43 = arith.constant 1 : i32
      scf.for %scan3A_45 = %scan3A_40 to %scan3A_42 step %scan3A_43  : i32 {
        %get3A = arith.index_cast %scan3A_45 : i32 to index
        %get3A_46 = arith.constant 0 : index
        %get3A_47 = tpu.vector_load %arg10[%get3A, %get3A_46] {strides = array<i32>} : memref<128x128xf32, #tpu.memory_space<vmem>>, vector<1x16xf32>,
        %get3A_48 = vector.shape_cast %get3A_47 : vector<1x16xf32> to vector<16xf32>
        %get3A_49 = arith.index_cast %scan3A_45 : i32 to index
        %get3A_50 = arith.constant 0 : index
        %get3A_51 = tpu.vector_load %arg9[%get3A_49, %get3A_50] {strides = array<i32>} : memref<128x128xf32, #tpu.memory_space<vmem>>, vector<1x16xf32>,
        %get3A_52 = vector.shape_cast %get3A_51 : vector<1x16xf32> to vector<16xf32>
        %add3A_53 = arith.addf %get3A_48, %get3A_52 : vector<16xf32>
        %max3A = arith.constant 0.000000e+00 : f32
        %max3A_54 = vector.broadcast %max3A : f32 to vector<16xf32>
        %max3A_55 = arith.maximumf %add3A_53, %max3A_54 : vector<16xf32>
        %swap3A = arith.index_cast %scan3A_45 : i32 to index
        %swap3A_56 = arith.constant 0 : index
        %swap3A_57 = tpu.vector_load %arg10[%swap3A, %swap3A_56] {strides = array<i32>} : memref<128x128xf32, #tpu.memory_space<vmem>>, vector<1x16xf32>,
        %swap3A_58 = vector.shape_cast %swap3A_57 : vector<1x16xf32> to vector<16xf32>
        %swap3A_59 = vector.shape_cast %max3A_55 : vector<16xf32> to vector<1x16xf32>
        tpu.vector_store %arg10[%swap3A, %swap3A_56], %swap3A_59 {strides = array<i32>} : memref<128x128xf32, #tpu.memory_space<vmem>>, vector<1x16xf32>,
        %get3A_60 = arith.index_cast %scan3A_45 : i32 to index
        %get3A_61 = arith.constant 16 : index
        %get3A_62 = tpu.vector_load %arg10[%get3A_60, %get3A_61] {strides = array<i32>} : memref<128x128xf32, #tpu.memory_space<vmem>>, vector<1x16xf32>,
        %get3A_63 = vector.shape_cast %get3A_62 : vector<1x16xf32> to vector<16xf32>
        %get3A_64 = arith.index_cast %scan3A_45 : i32 to index
        %get3A_65 = arith.constant 16 : index
        %get3A_66 = tpu.vector_load %arg9[%get3A_64, %get3A_65] {strides = array<i32>} : memref<128x128xf32, #tpu.memory_space<vmem>>, vector<1x16xf32>,
        %get3A_67 = vector.shape_cast %get3A_66 : vector<1x16xf32> to vector<16xf32>
        %add3A_68 = arith.addf %get3A_63, %get3A_67 : vector<16xf32>
        %max3A_69 = arith.constant 0.000000e+00 : f32
        %max3A_70 = vector.broadcast %max3A_69 : f32 to vector<16xf32>
        %max3A_71 = arith.maximumf %add3A_68, %max3A_70 : vector<16xf32>
        %swap3A_72 = arith.index_cast %scan3A_45 : i32 to index
        %swap3A_73 = arith.constant 16 : index
        %swap3A_74 = tpu.vector_load %arg10[%swap3A_72, %swap3A_73] {strides = array<i32>} : memref<128x128xf32, #tpu.memory_space<vmem>>, vector<1x16xf32>,
        %swap3A_75 = vector.shape_cast %swap3A_74 : vector<1x16xf32> to vector<16xf32>
        %swap3A_76 = vector.shape_cast %max3A_71 : vector<16xf32> to vector<1x16xf32>
        tpu.vector_store %arg10[%swap3A_72, %swap3A_73], %swap3A_76 {strides = array<i32>} : memref<128x128xf32, #tpu.memory_space<vmem>>, vector<1x16xf32>,
        %get3A_77 = arith.index_cast %scan3A_45 : i32 to index
        %get3A_78 = arith.constant 32 : index
        %get3A_79 = tpu.vector_load %arg10[%get3A_77, %get3A_78] {strides = array<i32>} : memref<128x128xf32, #tpu.memory_space<vmem>>, vector<1x16xf32>,
        %get3A_80 = vector.shape_cast %get3A_79 : vector<1x16xf32> to vector<16xf32>
        %get3A_81 = arith.index_cast %scan3A_45 : i32 to index
        %get3A_82 = arith.constant 32 : index
        %get3A_83 = tpu.vector_load %arg9[%get3A_81, %get3A_82] {strides = array<i32>} : memref<128x128xf32, #tpu.memory_space<vmem>>, vector<1x16xf32>,
        %get3A_84 = vector.shape_cast %get3A_83 : vector<1x16xf32> to vector<16xf32>
        %add3A_85 = arith.addf %get3A_80, %get3A_84 : vector<16xf32>
        %max3A_86 = arith.constant 0.000000e+00 : f32
        %max3A_87 = vector.broadcast %max3A_86 : f32 to vector<16xf32>
        %max3A_88 = arith.maximumf %add3A_85, %max3A_87 : vector<16xf32>
        %swap3A_89 = arith.index_cast %scan3A_45 : i32 to index
        %swap3A_90 = arith.constant 32 : index
        %swap3A_91 = tpu.vector_load %arg10[%swap3A_89, %swap3A_90] {strides = array<i32>} : memref<128x128xf32, #tpu.memory_space<vmem>>, vector<1x16xf32>,
        %swap3A_92 = vector.shape_cast %swap3A_91 : vector<1x16xf32> to vector<16xf32>
        %swap3A_93 = vector.shape_cast %max3A_88 : vector<16xf32> to vector<1x16xf32>
        tpu.vector_store %arg10[%swap3A_89, %swap3A_90], %swap3A_93 {strides = array<i32>} : memref<128x128xf32, #tpu.memory_space<vmem>>, vector<1x16xf32>,
        %get3A_94 = arith.index_cast %scan3A_45 : i32 to index
        %get3A_95 = arith.constant 48 : index
        %get3A_96 = tpu.vector_load %arg10[%get3A_94, %get3A_95] {strides = array<i32>} : memref<128x128xf32, #tpu.memory_space<vmem>>, vector<1x16xf32>,
        %get3A_97 = vector.shape_cast %get3A_96 : vector<1x16xf32> to vector<16xf32>
        %get3A_98 = arith.index_cast %scan3A_45 : i32 to index
        %get3A_99 = arith.constant 48 : index
        %get3A_100 = tpu.vector_load %arg9[%get3A_98, %get3A_99] {strides = array<i32>} : memref<128x128xf32, #tpu.memory_space<vmem>>, vector<1x16xf32>,
        %get3A_101 = vector.shape_cast %get3A_100 : vector<1x16xf32> to vector<16xf32>
        %add3A_102 = arith.addf %get3A_97, %get3A_101 : vector<16xf32>
        %max3A_103 = arith.constant 0.000000e+00 : f32
        %max3A_104 = vector.broadcast %max3A_103 : f32 to vector<16xf32>
        %max3A_105 = arith.maximumf %add3A_102, %max3A_104 : vector<16xf32>
        %swap3A_106 = arith.index_cast %scan3A_45 : i32 to index
        %swap3A_107 = arith.constant 48 : index
        %swap3A_108 = tpu.vector_load %arg10[%swap3A_106, %swap3A_107] {strides = array<i32>} : memref<128x128xf32, #tpu.memory_space<vmem>>, vector<1x16xf32>,
        %swap3A_109 = vector.shape_cast %swap3A_108 : vector<1x16xf32> to vector<16xf32>
        %swap3A_110 = vector.shape_cast %max3A_105 : vector<16xf32> to vector<1x16xf32>
        tpu.vector_store %arg10[%swap3A_106, %swap3A_107], %swap3A_110 {strides = array<i32>} : memref<128x128xf32, #tpu.memory_space<vmem>>, vector<1x16xf32>,
        %get3A_111 = arith.index_cast %scan3A_45 : i32 to index
        %get3A_112 = arith.constant 64 : index
        %get3A_113 = tpu.vector_load %arg10[%get3A_111, %get3A_112] {strides = array<i32>} : memref<128x128xf32, #tpu.memory_space<vmem>>, vector<1x16xf32>,
        %get3A_114 = vector.shape_cast %get3A_113 : vector<1x16xf32> to vector<16xf32>
        %get3A_115 = arith.index_cast %scan3A_45 : i32 to index
        %get3A_116 = arith.constant 64 : index
        %get3A_117 = tpu.vector_load %arg9[%get3A_115, %get3A_116] {strides = array<i32>} : memref<128x128xf32, #tpu.memory_space<vmem>>, vector<1x16xf32>,
        %get3A_118 = vector.shape_cast %get3A_117 : vector<1x16xf32> to vector<16xf32>
        %add3A_119 = arith.addf %get3A_114, %get3A_118 : vector<16xf32>
        %max3A_120 = arith.constant 0.000000e+00 : f32
        %max3A_121 = vector.broadcast %max3A_120 : f32 to vector<16xf32>
        %max3A_122 = arith.maximumf %add3A_119, %max3A_121 : vector<16xf32>
        %swap3A_123 = arith.index_cast %scan3A_45 : i32 to index
        %swap3A_124 = arith.constant 64 : index
        %swap3A_125 = tpu.vector_load %arg10[%swap3A_123, %swap3A_124] {strides = array<i32>} : memref<128x128xf32, #tpu.memory_space<vmem>>, vector<1x16xf32>,
        %swap3A_126 = vector.shape_cast %swap3A_125 : vector<1x16xf32> to vector<16xf32>
        %swap3A_127 = vector.shape_cast %max3A_122 : vector<16xf32> to vector<1x16xf32>
        tpu.vector_store %arg10[%swap3A_123, %swap3A_124], %swap3A_127 {strides = array<i32>} : memref<128x128xf32, #tpu.memory_space<vmem>>, vector<1x16xf32>,
        %get3A_128 = arith.index_cast %scan3A_45 : i32 to index
        %get3A_129 = arith.constant 80 : index
        %get3A_130 = tpu.vector_load %arg10[%get3A_128, %get3A_129] {strides = array<i32>} : memref<128x128xf32, #tpu.memory_space<vmem>>, vector<1x16xf32>,
        %get3A_131 = vector.shape_cast %get3A_130 : vector<1x16xf32> to vector<16xf32>
        %get3A_132 = arith.index_cast %scan3A_45 : i32 to index
        %get3A_133 = arith.constant 80 : index
        %get3A_134 = tpu.vector_load %arg9[%get3A_132, %get3A_133] {strides = array<i32>} : memref<128x128xf32, #tpu.memory_space<vmem>>, vector<1x16xf32>,
        %get3A_135 = vector.shape_cast %get3A_134 : vector<1x16xf32> to vector<16xf32>
        %add3A_136 = arith.addf %get3A_131, %get3A_135 : vector<16xf32>
        %max3A_137 = arith.constant 0.000000e+00 : f32
        %max3A_138 = vector.broadcast %max3A_137 : f32 to vector<16xf32>
        %max3A_139 = arith.maximumf %add3A_136, %max3A_138 : vector<16xf32>
        %swap3A_140 = arith.index_cast %scan3A_45 : i32 to index
        %swap3A_141 = arith.constant 80 : index
        %swap3A_142 = tpu.vector_load %arg10[%swap3A_140, %swap3A_141] {strides = array<i32>} : memref<128x128xf32, #tpu.memory_space<vmem>>, vector<1x16xf32>,
        %swap3A_143 = vector.shape_cast %swap3A_142 : vector<1x16xf32> to vector<16xf32>
        %swap3A_144 = vector.shape_cast %max3A_139 : vector<16xf32> to vector<1x16xf32>
        tpu.vector_store %arg10[%swap3A_140, %swap3A_141], %swap3A_144 {strides = array<i32>} : memref<128x128xf32, #tpu.memory_space<vmem>>, vector<1x16xf32>,
        %get3A_145 = arith.index_cast %scan3A_45 : i32 to index
        %get3A_146 = arith.constant 96 : index
        %get3A_147 = tpu.vector_load %arg10[%get3A_145, %get3A_146] {strides = array<i32>} : memref<128x128xf32, #tpu.memory_space<vmem>>, vector<1x16xf32>,
        %get3A_148 = vector.shape_cast %get3A_147 : vector<1x16xf32> to vector<16xf32>
        %get3A_149 = arith.index_cast %scan3A_45 : i32 to index
        %get3A_150 = arith.constant 96 : index
        %get3A_151 = tpu.vector_load %arg9[%get3A_149, %get3A_150] {strides = array<i32>} : memref<128x128xf32, #tpu.memory_space<vmem>>, vector<1x16xf32>,
        %get3A_152 = vector.shape_cast %get3A_151 : vector<1x16xf32> to vector<16xf32>
        %add3A_153 = arith.addf %get3A_148, %get3A_152 : vector<16xf32>
        %max3A_154 = arith.constant 0.000000e+00 : f32
        %max3A_155 = vector.broadcast %max3A_154 : f32 to vector<16xf32>
        %max3A_156 = arith.maximumf %add3A_153, %max3A_155 : vector<16xf32>
        %swap3A_157 = arith.index_cast %scan3A_45 : i32 to index
        %swap3A_158 = arith.constant 96 : index
        %swap3A_159 = tpu.vector_load %arg10[%swap3A_157, %swap3A_158] {strides = array<i32>} : memref<128x128xf32, #tpu.memory_space<vmem>>, vector<1x16xf32>,
        %swap3A_160 = vector.shape_cast %swap3A_159 : vector<1x16xf32> to vector<16xf32>
        %swap3A_161 = vector.shape_cast %max3A_156 : vector<16xf32> to vector<1x16xf32>
        tpu.vector_store %arg10[%swap3A_157, %swap3A_158], %swap3A_161 {strides = array<i32>} : memref<128x128xf32, #tpu.memory_space<vmem>>, vector<1x16xf32>,
        %get3A_162 = arith.index_cast %scan3A_45 : i32 to index
        %get3A_163 = arith.constant 112 : index
        %get3A_164 = tpu.vector_load %arg10[%get3A_162, %get3A_163] {strides = array<i32>} : memref<128x128xf32, #tpu.memory_space<vmem>>, vector<1x16xf32>,
        %get3A_165 = vector.shape_cast %get3A_164 : vector<1x16xf32> to vector<16xf32>
        %get3A_166 = arith.index_cast %scan3A_45 : i32 to index
        %get3A_167 = arith.constant 112 : index
        %get3A_168 = tpu.vector_load %arg9[%get3A_166, %get3A_167] {strides = array<i32>} : memref<128x128xf32, #tpu.memory_space<vmem>>, vector<1x16xf32>,
        %get3A_169 = vector.shape_cast %get3A_168 : vector<1x16xf32> to vector<16xf32>
        %add3A_170 = arith.addf %get3A_165, %get3A_169 : vector<16xf32>
        %max3A_171 = arith.constant 0.000000e+00 : f32
        %max3A_172 = vector.broadcast %max3A_171 : f32 to vector<16xf32>
        %max3A_173 = arith.maximumf %add3A_170, %max3A_172 : vector<16xf32>
        %swap3A_174 = arith.index_cast %scan3A_45 : i32 to index
        %swap3A_175 = arith.constant 112 : index
        %swap3A_176 = tpu.vector_load %arg10[%swap3A_174, %swap3A_175] {strides = array<i32>} : memref<128x128xf32, #tpu.memory_space<vmem>>, vector<1x16xf32>,
        %swap3A_177 = vector.shape_cast %swap3A_176 : vector<1x16xf32> to vector<16xf32>
        %swap3A_178 = vector.shape_cast %max3A_173 : vector<16xf32> to vector<1x16xf32>
        tpu.vector_store %arg10[%swap3A_174, %swap3A_175], %swap3A_178 {strides = array<i32>} : memref<128x128xf32, #tpu.memory_space<vmem>>, vector<1x16xf32>,
      }
      %scan3A_44 = arith.constant 128 : i32
      "tpu.region"() ({
        %run_scoped3A = tpu.sem_alloc : memref<!tpu.dma_semaphore, #tpu.memory_space<semaphore_mem>>
        %dma_start3A_45 = arith.constant 0 : i32
        %dma_start3A_46 = arith.constant 0 : i32
        %dma_start3A_47 = tpu.memref_slice %arg11[%dma_start3A_45, %dma_start3A_46] : memref<10112x128xf32, #tpu.memory_space<vmem_shared>> -> memref<10112x128xf32, #tpu.memory_space<vmem_shared>>
        tpu.enqueue_indirect_dma source(%arg10 : memref<128x128xf32, #tpu.memory_space<vmem>>) target(%dma_start3A_47 : memref<10112x128xf32, #tpu.memory_space<vmem_shared>>) offsets(%arg8 : memref<128xi32, #tpu.memory_space<vmem>>) semaphore(%run_scoped3A : memref<!tpu.dma_semaphore, #tpu.memory_space<semaphore_mem>>) {add = true}
        %dma_wait3A_48 = arith.constant 0 : i32
        %dma_wait3A_49 = arith.constant 0 : i32
        %dma_wait3A_50 = tpu.memref_slice %arg11[%dma_wait3A_48, %dma_wait3A_49] : memref<10112x128xf32, #tpu.memory_space<vmem_shared>> -> memref<10112x128xf32, #tpu.memory_space<vmem_shared>>
        tpu.wait_indirect_dma semaphore(%run_scoped3A : memref<!tpu.dma_semaphore, #tpu.memory_space<semaphore_mem>>) src(%arg10 : memref<128x128xf32, #tpu.memory_space<vmem>>) dst(%dma_wait3A_50 : memref<10112x128xf32, #tpu.memory_space<vmem_shared>>)
        tpu.yield
      }) : () -> ()
    }
    %scan3A_24 = arith.constant 79 : i32
    %barrier3A_25 = arith.constant 0 : index
    tpu.barrier barrier_id(%barrier3A_25)
    "tpu.region"() ({
      %run_scoped3A = tpu.sem_alloc : memref<!tpu.dma_semaphore, #tpu.memory_space<semaphore_mem>>
      %dma_start3A = arith.constant 0 : i32
      %dma_start3A_26 = tpu.memref_slice %arg6[%arg0, %mul3A_7, %dma_start3A] : memref<2x10112x128xf32, #tpu.memory_space<hbm>> -> memref<1x632x128xf32, #tpu.memory_space<hbm>>
      %dma_start3A_27 = tpu.memref_squeeze %dma_start3A_26 : memref<1x632x128xf32, #tpu.memory_space<hbm>> -> memref<632x128xf32, #tpu.memory_space<hbm>>
      %dma_start3A_28 = arith.constant 0 : i32
      %dma_start3A_29 = tpu.memref_slice %arg11[%mul3A_7, %dma_start3A_28] : memref<10112x128xf32, #tpu.memory_space<vmem_shared>> -> memref<632x128xf32, #tpu.memory_space<vmem_shared>>
      tpu.enqueue_dma source(%dma_start3A_29 : memref<632x128xf32, #tpu.memory_space<vmem_shared>>) target(%dma_start3A_27 : memref<632x128xf32, #tpu.memory_space<hbm>>) target_semaphore(%run_scoped3A : memref<!tpu.dma_semaphore, #tpu.memory_space<semaphore_mem>>)
      %dma_wait3A = arith.constant 0 : i32
      %dma_wait3A_30 = tpu.memref_slice %arg6[%arg0, %mul3A_7, %dma_wait3A] : memref<2x10112x128xf32, #tpu.memory_space<hbm>> -> memref<1x632x128xf32, #tpu.memory_space<hbm>>
      %dma_wait3A_31 = tpu.memref_squeeze %dma_wait3A_30 : memref<1x632x128xf32, #tpu.memory_space<hbm>> -> memref<632x128xf32, #tpu.memory_space<hbm>>
      %dma_wait3A_32 = arith.constant 0 : i32
      %dma_wait3A_33 = tpu.memref_slice %arg11[%mul3A_7, %dma_wait3A_32] : memref<10112x128xf32, #tpu.memory_space<vmem_shared>> -> memref<632x128xf32, #tpu.memory_space<vmem_shared>>
      tpu.wait_dma2 semaphore(%run_scoped3A : memref<!tpu.dma_semaphore, #tpu.memory_space<semaphore_mem>>) src(%dma_wait3A_33 : memref<632x128xf32, #tpu.memory_space<vmem_shared>>) dst(%dma_wait3A_31 : memref<632x128xf32, #tpu.memory_space<hbm>>)
      tpu.yield
    }) : () -> ()
    return
  }
}

#map = affine_map<(d0, d1) -> (0, 0)>
#map1 = affine_map<(d0, d1) -> (0, 0, 0)>
module attributes {stable_mosaic.version = 14 : i64} {
  func.func @sc_count(%arg0: i32, %arg1: i32, %arg2: memref<2528x128xi32, #tpu.memory_space<hbm>>, %arg3: memref<2x10112x128xf32, #tpu.memory_space<hbm>>, %arg4: memref<128xi32, #tpu.memory_space<vmem>>, %arg5: memref<128x128xf32, #tpu.memory_space<vmem>>, %arg6: memref<10112x128xf32, #tpu.memory_space<vmem_shared>>) attributes {dimension_semantics = [#tpu.dimension_semantics<core_parallel>, #tpu.dimension_semantics<subcore_parallel>], iteration_bounds = array<i64: 2, 16>, scalar_prefetch = 0 : i64, scratch_operands = 3 : i64, tpu.core_type = #tpu.core_type<sc_vector_subcore>, window_params = [{transform_indices = #map}, {transform_indices = #map1}]} {
    %mul3A = arith.constant 16 : i32
    %mul3A_0 = arith.muli %arg0, %mul3A : i32
    %add3A = arith.addi %mul3A_0, %arg1 : i32
    %broadcast_in_dim3A = arith.constant 0.000000e+00 : f32
    %broadcast_in_dim3A_1 = vector.broadcast %broadcast_in_dim3A : f32 to vector<16xf32>
    %scan3A = arith.constant 0 : i32
    %scan3A_2 = arith.constant 128 : i32
    %scan3A_3 = arith.addi %scan3A, %scan3A_2 : i32
    %scan3A_4 = arith.constant 1 : i32
    scf.for %scan3A_34 = %scan3A to %scan3A_3 step %scan3A_4  : i32 {
      %swap3A = arith.index_cast %scan3A_34 : i32 to index
      %swap3A_35 = arith.constant 0 : index
      %swap3A_36 = tpu.vector_load %arg5[%swap3A, %swap3A_35] {strides = array<i32>} : memref<128x128xf32, #tpu.memory_space<vmem>>, vector<1x16xf32>,
      %swap3A_37 = vector.shape_cast %swap3A_36 : vector<1x16xf32> to vector<16xf32>
      %swap3A_38 = vector.shape_cast %broadcast_in_dim3A_1 : vector<16xf32> to vector<1x16xf32>
      tpu.vector_store %arg5[%swap3A, %swap3A_35], %swap3A_38 {strides = array<i32>} : memref<128x128xf32, #tpu.memory_space<vmem>>, vector<1x16xf32>,
      %swap3A_39 = arith.index_cast %scan3A_34 : i32 to index
      %swap3A_40 = arith.constant 16 : index
      %swap3A_41 = tpu.vector_load %arg5[%swap3A_39, %swap3A_40] {strides = array<i32>} : memref<128x128xf32, #tpu.memory_space<vmem>>, vector<1x16xf32>,
      %swap3A_42 = vector.shape_cast %swap3A_41 : vector<1x16xf32> to vector<16xf32>
      %swap3A_43 = vector.shape_cast %broadcast_in_dim3A_1 : vector<16xf32> to vector<1x16xf32>
      tpu.vector_store %arg5[%swap3A_39, %swap3A_40], %swap3A_43 {strides = array<i32>} : memref<128x128xf32, #tpu.memory_space<vmem>>, vector<1x16xf32>,
      %swap3A_44 = arith.index_cast %scan3A_34 : i32 to index
      %swap3A_45 = arith.constant 32 : index
      %swap3A_46 = tpu.vector_load %arg5[%swap3A_44, %swap3A_45] {strides = array<i32>} : memref<128x128xf32, #tpu.memory_space<vmem>>, vector<1x16xf32>,
      %swap3A_47 = vector.shape_cast %swap3A_46 : vector<1x16xf32> to vector<16xf32>
      %swap3A_48 = vector.shape_cast %broadcast_in_dim3A_1 : vector<16xf32> to vector<1x16xf32>
      tpu.vector_store %arg5[%swap3A_44, %swap3A_45], %swap3A_48 {strides = array<i32>} : memref<128x128xf32, #tpu.memory_space<vmem>>, vector<1x16xf32>,
      %swap3A_49 = arith.index_cast %scan3A_34 : i32 to index
      %swap3A_50 = arith.constant 48 : index
      %swap3A_51 = tpu.vector_load %arg5[%swap3A_49, %swap3A_50] {strides = array<i32>} : memref<128x128xf32, #tpu.memory_space<vmem>>, vector<1x16xf32>,
      %swap3A_52 = vector.shape_cast %swap3A_51 : vector<1x16xf32> to vector<16xf32>
      %swap3A_53 = vector.shape_cast %broadcast_in_dim3A_1 : vector<16xf32> to vector<1x16xf32>
      tpu.vector_store %arg5[%swap3A_49, %swap3A_50], %swap3A_53 {strides = array<i32>} : memref<128x128xf32, #tpu.memory_space<vmem>>, vector<1x16xf32>,
      %swap3A_54 = arith.index_cast %scan3A_34 : i32 to index
      %swap3A_55 = arith.constant 64 : index
      %swap3A_56 = tpu.vector_load %arg5[%swap3A_54, %swap3A_55] {strides = array<i32>} : memref<128x128xf32, #tpu.memory_space<vmem>>, vector<1x16xf32>,
      %swap3A_57 = vector.shape_cast %swap3A_56 : vector<1x16xf32> to vector<16xf32>
      %swap3A_58 = vector.shape_cast %broadcast_in_dim3A_1 : vector<16xf32> to vector<1x16xf32>
      tpu.vector_store %arg5[%swap3A_54, %swap3A_55], %swap3A_58 {strides = array<i32>} : memref<128x128xf32, #tpu.memory_space<vmem>>, vector<1x16xf32>,
      %swap3A_59 = arith.index_cast %scan3A_34 : i32 to index
      %swap3A_60 = arith.constant 80 : index
      %swap3A_61 = tpu.vector_load %arg5[%swap3A_59, %swap3A_60] {strides = array<i32>} : memref<128x128xf32, #tpu.memory_space<vmem>>, vector<1x16xf32>,
      %swap3A_62 = vector.shape_cast %swap3A_61 : vector<1x16xf32> to vector<16xf32>
      %swap3A_63 = vector.shape_cast %broadcast_in_dim3A_1 : vector<16xf32> to vector<1x16xf32>
      tpu.vector_store %arg5[%swap3A_59, %swap3A_60], %swap3A_63 {strides = array<i32>} : memref<128x128xf32, #tpu.memory_space<vmem>>, vector<1x16xf32>,
      %swap3A_64 = arith.index_cast %scan3A_34 : i32 to index
      %swap3A_65 = arith.constant 96 : index
      %swap3A_66 = tpu.vector_load %arg5[%swap3A_64, %swap3A_65] {strides = array<i32>} : memref<128x128xf32, #tpu.memory_space<vmem>>, vector<1x16xf32>,
      %swap3A_67 = vector.shape_cast %swap3A_66 : vector<1x16xf32> to vector<16xf32>
      %swap3A_68 = vector.shape_cast %broadcast_in_dim3A_1 : vector<16xf32> to vector<1x16xf32>
      tpu.vector_store %arg5[%swap3A_64, %swap3A_65], %swap3A_68 {strides = array<i32>} : memref<128x128xf32, #tpu.memory_space<vmem>>, vector<1x16xf32>,
      %swap3A_69 = arith.index_cast %scan3A_34 : i32 to index
      %swap3A_70 = arith.constant 112 : index
      %swap3A_71 = tpu.vector_load %arg5[%swap3A_69, %swap3A_70] {strides = array<i32>} : memref<128x128xf32, #tpu.memory_space<vmem>>, vector<1x16xf32>,
      %swap3A_72 = vector.shape_cast %swap3A_71 : vector<1x16xf32> to vector<16xf32>
      %swap3A_73 = vector.shape_cast %broadcast_in_dim3A_1 : vector<16xf32> to vector<1x16xf32>
      tpu.vector_store %arg5[%swap3A_69, %swap3A_70], %swap3A_73 {strides = array<i32>} : memref<128x128xf32, #tpu.memory_space<vmem>>, vector<1x16xf32>,
    }
    %scan3A_5 = arith.constant 128 : i32
    %mul3A_6 = arith.constant 632 : i32
    %mul3A_7 = arith.muli %arg1, %mul3A_6 : i32
    %add3A_8 = arith.constant 0 : i32
    %add3A_9 = arith.addi %mul3A_7, %add3A_8 : i32
    "tpu.region"() ({
      %run_scoped3A = tpu.sem_alloc : memref<!tpu.dma_semaphore, #tpu.memory_space<semaphore_mem>>
      %dma_start3A = arith.constant 0 : i32
      %dma_start3A_34 = tpu.memref_slice %arg6[%add3A_9, %dma_start3A] : memref<10112x128xf32, #tpu.memory_space<vmem_shared>> -> memref<128x128xf32, #tpu.memory_space<vmem_shared>>
      %dma_start3A_35 = arith.constant 0 : i32
      %dma_start3A_36 = tpu.memref_slice %arg6[%add3A_9, %dma_start3A_35] : memref<10112x128xf32, #tpu.memory_space<vmem_shared>> -> memref<128x128xf32, #tpu.memory_space<vmem_shared>>
      tpu.enqueue_dma source(%arg5 : memref<128x128xf32, #tpu.memory_space<vmem>>) target(%dma_start3A_36 : memref<128x128xf32, #tpu.memory_space<vmem_shared>>) target_semaphore(%run_scoped3A : memref<!tpu.dma_semaphore, #tpu.memory_space<semaphore_mem>>)
      %dma_wait3A = arith.constant 0 : i32
      %dma_wait3A_37 = tpu.memref_slice %arg6[%add3A_9, %dma_wait3A] : memref<10112x128xf32, #tpu.memory_space<vmem_shared>> -> memref<128x128xf32, #tpu.memory_space<vmem_shared>>
      %dma_wait3A_38 = arith.constant 0 : i32
      %dma_wait3A_39 = tpu.memref_slice %arg6[%add3A_9, %dma_wait3A_38] : memref<10112x128xf32, #tpu.memory_space<vmem_shared>> -> memref<128x128xf32, #tpu.memory_space<vmem_shared>>
      tpu.wait_dma2 semaphore(%run_scoped3A : memref<!tpu.dma_semaphore, #tpu.memory_space<semaphore_mem>>) src(%arg5 : memref<128x128xf32, #tpu.memory_space<vmem>>) dst(%dma_wait3A_39 : memref<128x128xf32, #tpu.memory_space<vmem_shared>>)
      tpu.yield
    }) : () -> ()
    %add3A_10 = arith.constant 128 : i32
    %add3A_11 = arith.addi %mul3A_7, %add3A_10 : i32
    "tpu.region"() ({
      %run_scoped3A = tpu.sem_alloc : memref<!tpu.dma_semaphore, #tpu.memory_space<semaphore_mem>>
      %dma_start3A = arith.constant 0 : i32
      %dma_start3A_34 = tpu.memref_slice %arg6[%add3A_11, %dma_start3A] : memref<10112x128xf32, #tpu.memory_space<vmem_shared>> -> memref<128x128xf32, #tpu.memory_space<vmem_shared>>
      %dma_start3A_35 = arith.constant 0 : i32
      %dma_start3A_36 = tpu.memref_slice %arg6[%add3A_11, %dma_start3A_35] : memref<10112x128xf32, #tpu.memory_space<vmem_shared>> -> memref<128x128xf32, #tpu.memory_space<vmem_shared>>
      tpu.enqueue_dma source(%arg5 : memref<128x128xf32, #tpu.memory_space<vmem>>) target(%dma_start3A_36 : memref<128x128xf32, #tpu.memory_space<vmem_shared>>) target_semaphore(%run_scoped3A : memref<!tpu.dma_semaphore, #tpu.memory_space<semaphore_mem>>)
      %dma_wait3A = arith.constant 0 : i32
      %dma_wait3A_37 = tpu.memref_slice %arg6[%add3A_11, %dma_wait3A] : memref<10112x128xf32, #tpu.memory_space<vmem_shared>> -> memref<128x128xf32, #tpu.memory_space<vmem_shared>>
      %dma_wait3A_38 = arith.constant 0 : i32
      %dma_wait3A_39 = tpu.memref_slice %arg6[%add3A_11, %dma_wait3A_38] : memref<10112x128xf32, #tpu.memory_space<vmem_shared>> -> memref<128x128xf32, #tpu.memory_space<vmem_shared>>
      tpu.wait_dma2 semaphore(%run_scoped3A : memref<!tpu.dma_semaphore, #tpu.memory_space<semaphore_mem>>) src(%arg5 : memref<128x128xf32, #tpu.memory_space<vmem>>) dst(%dma_wait3A_39 : memref<128x128xf32, #tpu.memory_space<vmem_shared>>)
      tpu.yield
    }) : () -> ()
    %add3A_12 = arith.constant 256 : i32
    %add3A_13 = arith.addi %mul3A_7, %add3A_12 : i32
    "tpu.region"() ({
      %run_scoped3A = tpu.sem_alloc : memref<!tpu.dma_semaphore, #tpu.memory_space<semaphore_mem>>
      %dma_start3A = arith.constant 0 : i32
      %dma_start3A_34 = tpu.memref_slice %arg6[%add3A_13, %dma_start3A] : memref<10112x128xf32, #tpu.memory_space<vmem_shared>> -> memref<128x128xf32, #tpu.memory_space<vmem_shared>>
      %dma_start3A_35 = arith.constant 0 : i32
      %dma_start3A_36 = tpu.memref_slice %arg6[%add3A_13, %dma_start3A_35] : memref<10112x128xf32, #tpu.memory_space<vmem_shared>> -> memref<128x128xf32, #tpu.memory_space<vmem_shared>>
      tpu.enqueue_dma source(%arg5 : memref<128x128xf32, #tpu.memory_space<vmem>>) target(%dma_start3A_36 : memref<128x128xf32, #tpu.memory_space<vmem_shared>>) target_semaphore(%run_scoped3A : memref<!tpu.dma_semaphore, #tpu.memory_space<semaphore_mem>>)
      %dma_wait3A = arith.constant 0 : i32
      %dma_wait3A_37 = tpu.memref_slice %arg6[%add3A_13, %dma_wait3A] : memref<10112x128xf32, #tpu.memory_space<vmem_shared>> -> memref<128x128xf32, #tpu.memory_space<vmem_shared>>
      %dma_wait3A_38 = arith.constant 0 : i32
      %dma_wait3A_39 = tpu.memref_slice %arg6[%add3A_13, %dma_wait3A_38] : memref<10112x128xf32, #tpu.memory_space<vmem_shared>> -> memref<128x128xf32, #tpu.memory_space<vmem_shared>>
      tpu.wait_dma2 semaphore(%run_scoped3A : memref<!tpu.dma_semaphore, #tpu.memory_space<semaphore_mem>>) src(%arg5 : memref<128x128xf32, #tpu.memory_space<vmem>>) dst(%dma_wait3A_39 : memref<128x128xf32, #tpu.memory_space<vmem_shared>>)
      tpu.yield
    }) : () -> ()
    %add3A_14 = arith.constant 384 : i32
    %add3A_15 = arith.addi %mul3A_7, %add3A_14 : i32
    "tpu.region"() ({
      %run_scoped3A = tpu.sem_alloc : memref<!tpu.dma_semaphore, #tpu.memory_space<semaphore_mem>>
      %dma_start3A = arith.constant 0 : i32
      %dma_start3A_34 = tpu.memref_slice %arg6[%add3A_15, %dma_start3A] : memref<10112x128xf32, #tpu.memory_space<vmem_shared>> -> memref<128x128xf32, #tpu.memory_space<vmem_shared>>
      %dma_start3A_35 = arith.constant 0 : i32
      %dma_start3A_36 = tpu.memref_slice %arg6[%add3A_15, %dma_start3A_35] : memref<10112x128xf32, #tpu.memory_space<vmem_shared>> -> memref<128x128xf32, #tpu.memory_space<vmem_shared>>
      tpu.enqueue_dma source(%arg5 : memref<128x128xf32, #tpu.memory_space<vmem>>) target(%dma_start3A_36 : memref<128x128xf32, #tpu.memory_space<vmem_shared>>) target_semaphore(%run_scoped3A : memref<!tpu.dma_semaphore, #tpu.memory_space<semaphore_mem>>)
      %dma_wait3A = arith.constant 0 : i32
      %dma_wait3A_37 = tpu.memref_slice %arg6[%add3A_15, %dma_wait3A] : memref<10112x128xf32, #tpu.memory_space<vmem_shared>> -> memref<128x128xf32, #tpu.memory_space<vmem_shared>>
      %dma_wait3A_38 = arith.constant 0 : i32
      %dma_wait3A_39 = tpu.memref_slice %arg6[%add3A_15, %dma_wait3A_38] : memref<10112x128xf32, #tpu.memory_space<vmem_shared>> -> memref<128x128xf32, #tpu.memory_space<vmem_shared>>
      tpu.wait_dma2 semaphore(%run_scoped3A : memref<!tpu.dma_semaphore, #tpu.memory_space<semaphore_mem>>) src(%arg5 : memref<128x128xf32, #tpu.memory_space<vmem>>) dst(%dma_wait3A_39 : memref<128x128xf32, #tpu.memory_space<vmem_shared>>)
      tpu.yield
    }) : () -> ()
    %add3A_16 = arith.constant 512 : i32
    %add3A_17 = arith.addi %mul3A_7, %add3A_16 : i32
    "tpu.region"() ({
      %run_scoped3A = tpu.sem_alloc : memref<!tpu.dma_semaphore, #tpu.memory_space<semaphore_mem>>
      %dma_start3A = arith.constant 0 : i32
      %dma_start3A_34 = arith.constant 0 : i32
      %dma_start3A_35 = tpu.memref_slice %arg5[%dma_start3A, %dma_start3A_34] : memref<128x128xf32, #tpu.memory_space<vmem>> -> memref<120x128xf32, #tpu.memory_space<vmem>>
      %dma_start3A_36 = arith.constant 0 : i32
      %dma_start3A_37 = tpu.memref_slice %arg6[%add3A_17, %dma_start3A_36] : memref<10112x128xf32, #tpu.memory_space<vmem_shared>> -> memref<120x128xf32, #tpu.memory_space<vmem_shared>>
      %dma_start3A_38 = arith.constant 0 : i32
      %dma_start3A_39 = tpu.memref_slice %arg6[%add3A_17, %dma_start3A_38] : memref<10112x128xf32, #tpu.memory_space<vmem_shared>> -> memref<120x128xf32, #tpu.memory_space<vmem_shared>>
      %dma_start3A_40 = arith.constant 0 : i32
      %dma_start3A_41 = arith.constant 0 : i32
      %dma_start3A_42 = tpu.memref_slice %arg5[%dma_start3A_40, %dma_start3A_41] : memref<128x128xf32, #tpu.memory_space<vmem>> -> memref<120x128xf32, #tpu.memory_space<vmem>>
      tpu.enqueue_dma source(%dma_start3A_42 : memref<120x128xf32, #tpu.memory_space<vmem>>) target(%dma_start3A_39 : memref<120x128xf32, #tpu.memory_space<vmem_shared>>) target_semaphore(%run_scoped3A : memref<!tpu.dma_semaphore, #tpu.memory_space<semaphore_mem>>)
      %dma_wait3A = arith.constant 0 : i32
      %dma_wait3A_43 = arith.constant 0 : i32
      %dma_wait3A_44 = tpu.memref_slice %arg5[%dma_wait3A, %dma_wait3A_43] : memref<128x128xf32, #tpu.memory_space<vmem>> -> memref<120x128xf32, #tpu.memory_space<vmem>>
      %dma_wait3A_45 = arith.constant 0 : i32
      %dma_wait3A_46 = tpu.memref_slice %arg6[%add3A_17, %dma_wait3A_45] : memref<10112x128xf32, #tpu.memory_space<vmem_shared>> -> memref<120x128xf32, #tpu.memory_space<vmem_shared>>
      %dma_wait3A_47 = arith.constant 0 : i32
      %dma_wait3A_48 = tpu.memref_slice %arg6[%add3A_17, %dma_wait3A_47] : memref<10112x128xf32, #tpu.memory_space<vmem_shared>> -> memref<120x128xf32, #tpu.memory_space<vmem_shared>>
      %dma_wait3A_49 = arith.constant 0 : i32
      %dma_wait3A_50 = arith.constant 0 : i32
      %dma_wait3A_51 = tpu.memref_slice %arg5[%dma_wait3A_49, %dma_wait3A_50] : memref<128x128xf32, #tpu.memory_space<vmem>> -> memref<120x128xf32, #tpu.memory_space<vmem>>
      tpu.wait_dma2 semaphore(%run_scoped3A : memref<!tpu.dma_semaphore, #tpu.memory_space<semaphore_mem>>) src(%dma_wait3A_51 : memref<120x128xf32, #tpu.memory_space<vmem>>) dst(%dma_wait3A_48 : memref<120x128xf32, #tpu.memory_space<vmem_shared>>)
      tpu.yield
    }) : () -> ()
    %iota3A = tpu.iota {dimensions = array<i32: 0>} : vector<16xi32>
    %eq3A = arith.constant 0 : i32
    %eq3A_18 = vector.broadcast %eq3A : i32 to vector<16xi32>
    %eq3A_19 = arith.cmpi eq, %iota3A, %eq3A_18 : vector<16xi32>
    %jit3A = arith.constant 1.000000e+00 : f32
    %jit3A_20 = arith.constant 0.000000e+00 : f32
    %broadcast_in_dim3A_21 = vector.broadcast %jit3A : f32 to vector<16xf32>
    %broadcast_in_dim3A_22 = vector.broadcast %jit3A_20 : f32 to vector<16xf32>
    %select_n3A = arith.select %eq3A_19, %broadcast_in_dim3A_21, %broadcast_in_dim3A_22 : vector<16xi1>, vector<16xf32>
    %scan3A_23 = arith.constant 0 : i32
    %scan3A_24 = arith.constant 128 : i32
    %scan3A_25 = arith.addi %scan3A_23, %scan3A_24 : i32
    %scan3A_26 = arith.constant 1 : i32
    scf.for %scan3A_34 = %scan3A_23 to %scan3A_25 step %scan3A_26  : i32 {
      %swap3A = arith.index_cast %scan3A_34 : i32 to index
      %swap3A_35 = arith.constant 0 : index
      %swap3A_36 = tpu.vector_load %arg5[%swap3A, %swap3A_35] {strides = array<i32>} : memref<128x128xf32, #tpu.memory_space<vmem>>, vector<1x16xf32>,
      %swap3A_37 = vector.shape_cast %swap3A_36 : vector<1x16xf32> to vector<16xf32>
      %swap3A_38 = vector.shape_cast %select_n3A : vector<16xf32> to vector<1x16xf32>
      tpu.vector_store %arg5[%swap3A, %swap3A_35], %swap3A_38 {strides = array<i32>} : memref<128x128xf32, #tpu.memory_space<vmem>>, vector<1x16xf32>,
    }
    %scan3A_27 = arith.constant 128 : i32
    %barrier3A = arith.constant 0 : index
    tpu.barrier barrier_id(%barrier3A)
    %scan3A_28 = arith.constant 0 : i32
    %scan3A_29 = arith.constant 79 : i32
    %scan3A_30 = arith.addi %scan3A_28, %scan3A_29 : i32
    %scan3A_31 = arith.constant 1 : i32
    scf.for %scan3A_34 = %scan3A_28 to %scan3A_30 step %scan3A_31  : i32 {
      %mul3A_35 = arith.constant 79 : i32
      %mul3A_36 = arith.muli %add3A, %mul3A_35 : i32
      %add3A_37 = arith.addi %mul3A_36, %scan3A_34 : i32
      "tpu.region"() ({
        %run_scoped3A = tpu.sem_alloc : memref<!tpu.dma_semaphore, #tpu.memory_space<semaphore_mem>>
        %dma_start3A = arith.constant 0 : i32
        %dma_start3A_38 = tpu.memref_slice %arg2[%add3A_37, %dma_start3A] : memref<2528x128xi32, #tpu.memory_space<hbm>> -> memref<1x128xi32, #tpu.memory_space<hbm>>
        %dma_start3A_39 = tpu.memref_squeeze %dma_start3A_38 : memref<1x128xi32, #tpu.memory_space<hbm>> -> memref<128xi32, #tpu.memory_space<hbm>>
        %dma_start3A_40 = arith.constant 0 : i32
        %dma_start3A_41 = tpu.memref_slice %arg2[%add3A_37, %dma_start3A_40] : memref<2528x128xi32, #tpu.memory_space<hbm>> -> memref<1x128xi32, #tpu.memory_space<hbm>>
        %dma_start3A_42 = tpu.memref_squeeze %dma_start3A_41 : memref<1x128xi32, #tpu.memory_space<hbm>> -> memref<128xi32, #tpu.memory_space<hbm>>
        tpu.enqueue_dma source(%dma_start3A_42 : memref<128xi32, #tpu.memory_space<hbm>>) target(%arg4 : memref<128xi32, #tpu.memory_space<vmem>>) target_semaphore(%run_scoped3A : memref<!tpu.dma_semaphore, #tpu.memory_space<semaphore_mem>>)
        %dma_wait3A = arith.constant 0 : i32
        %dma_wait3A_43 = tpu.memref_slice %arg2[%add3A_37, %dma_wait3A] : memref<2528x128xi32, #tpu.memory_space<hbm>> -> memref<1x128xi32, #tpu.memory_space<hbm>>
        %dma_wait3A_44 = tpu.memref_squeeze %dma_wait3A_43 : memref<1x128xi32, #tpu.memory_space<hbm>> -> memref<128xi32, #tpu.memory_space<hbm>>
        %dma_wait3A_45 = arith.constant 0 : i32
        %dma_wait3A_46 = tpu.memref_slice %arg2[%add3A_37, %dma_wait3A_45] : memref<2528x128xi32, #tpu.memory_space<hbm>> -> memref<1x128xi32, #tpu.memory_space<hbm>>
        %dma_wait3A_47 = tpu.memref_squeeze %dma_wait3A_46 : memref<1x128xi32, #tpu.memory_space<hbm>> -> memref<128xi32, #tpu.memory_space<hbm>>
        tpu.wait_dma2 semaphore(%run_scoped3A : memref<!tpu.dma_semaphore, #tpu.memory_space<semaphore_mem>>) src(%dma_wait3A_47 : memref<128xi32, #tpu.memory_space<hbm>>) dst(%arg4 : memref<128xi32, #tpu.memory_space<vmem>>)
        tpu.yield
      }) : () -> ()
      "tpu.region"() ({
        %run_scoped3A = tpu.sem_alloc : memref<!tpu.dma_semaphore, #tpu.memory_space<semaphore_mem>>
        %dma_start3A = arith.constant 0 : i32
        %dma_start3A_38 = arith.constant 0 : i32
        %dma_start3A_39 = tpu.memref_slice %arg6[%dma_start3A, %dma_start3A_38] : memref<10112x128xf32, #tpu.memory_space<vmem_shared>> -> memref<10112x128xf32, #tpu.memory_space<vmem_shared>>
        tpu.enqueue_indirect_dma source(%arg5 : memref<128x128xf32, #tpu.memory_space<vmem>>) target(%dma_start3A_39 : memref<10112x128xf32, #tpu.memory_space<vmem_shared>>) offsets(%arg4 : memref<128xi32, #tpu.memory_space<vmem>>) semaphore(%run_scoped3A : memref<!tpu.dma_semaphore, #tpu.memory_space<semaphore_mem>>) {add = true}
        %dma_wait3A = arith.constant 0 : i32
        %dma_wait3A_40 = arith.constant 0 : i32
        %dma_wait3A_41 = tpu.memref_slice %arg6[%dma_wait3A, %dma_wait3A_40] : memref<10112x128xf32, #tpu.memory_space<vmem_shared>> -> memref<10112x128xf32, #tpu.memory_space<vmem_shared>>
        tpu.wait_indirect_dma semaphore(%run_scoped3A : memref<!tpu.dma_semaphore, #tpu.memory_space<semaphore_mem>>) src(%arg5 : memref<128x128xf32, #tpu.memory_space<vmem>>) dst(%dma_wait3A_41 : memref<10112x128xf32, #tpu.memory_space<vmem_shared>>)
        tpu.yield
      }) : () -> ()
    }
    %scan3A_32 = arith.constant 79 : i32
    %barrier3A_33 = arith.constant 0 : index
    tpu.barrier barrier_id(%barrier3A_33)
    "tpu.region"() ({
      %run_scoped3A = tpu.sem_alloc : memref<!tpu.dma_semaphore, #tpu.memory_space<semaphore_mem>>
      %dma_start3A = arith.constant 0 : i32
      %dma_start3A_34 = tpu.memref_slice %arg3[%arg0, %mul3A_7, %dma_start3A] : memref<2x10112x128xf32, #tpu.memory_space<hbm>> -> memref<1x632x128xf32, #tpu.memory_space<hbm>>
      %dma_start3A_35 = tpu.memref_squeeze %dma_start3A_34 : memref<1x632x128xf32, #tpu.memory_space<hbm>> -> memref<632x128xf32, #tpu.memory_space<hbm>>
      %dma_start3A_36 = arith.constant 0 : i32
      %dma_start3A_37 = tpu.memref_slice %arg6[%mul3A_7, %dma_start3A_36] : memref<10112x128xf32, #tpu.memory_space<vmem_shared>> -> memref<632x128xf32, #tpu.memory_space<vmem_shared>>
      tpu.enqueue_dma source(%dma_start3A_37 : memref<632x128xf32, #tpu.memory_space<vmem_shared>>) target(%dma_start3A_35 : memref<632x128xf32, #tpu.memory_space<hbm>>) target_semaphore(%run_scoped3A : memref<!tpu.dma_semaphore, #tpu.memory_space<semaphore_mem>>)
      %dma_wait3A = arith.constant 0 : i32
      %dma_wait3A_38 = tpu.memref_slice %arg3[%arg0, %mul3A_7, %dma_wait3A] : memref<2x10112x128xf32, #tpu.memory_space<hbm>> -> memref<1x632x128xf32, #tpu.memory_space<hbm>>
      %dma_wait3A_39 = tpu.memref_squeeze %dma_wait3A_38 : memref<1x632x128xf32, #tpu.memory_space<hbm>> -> memref<632x128xf32, #tpu.memory_space<hbm>>
      %dma_wait3A_40 = arith.constant 0 : i32
      %dma_wait3A_41 = tpu.memref_slice %arg6[%mul3A_7, %dma_wait3A_40] : memref<10112x128xf32, #tpu.memory_space<vmem_shared>> -> memref<632x128xf32, #tpu.memory_space<vmem_shared>>
      tpu.wait_dma2 semaphore(%run_scoped3A : memref<!tpu.dma_semaphore, #tpu.memory_space<semaphore_mem>>) src(%dma_wait3A_41 : memref<632x128xf32, #tpu.memory_space<vmem_shared>>) dst(%dma_wait3A_39 : memref<632x128xf32, #tpu.memory_space<hbm>>)
      tpu.yield
    }) : () -> ()
    return
  }
}

module attributes {stable_mosaic.version = 14 : i64} {
  func.func @_edge_pre_body(%arg0: i32, %arg1: memref<4096x16xf32, #tpu.memory_space<vmem>>, %arg2: memref<4096x16xf32, #tpu.memory_space<vmem>>, %arg3: memref<16x128xf32, #tpu.memory_space<vmem>>, %arg4: memref<16x128xf32, #tpu.memory_space<vmem>>, %arg5: memref<1x128xf32, #tpu.memory_space<vmem>>, %arg6: memref<4096x128xf32, #tpu.memory_space<vmem>>) attributes {dimension_semantics = [#tpu.dimension_semantics<arbitrary>], iteration_bounds = array<i64: 79>, scalar_prefetch = 0 : i64, scratch_operands = 0 : i64, tpu.core_type = #tpu.core_type<tc>, window_params = [{transform_indices = @transform_0, window_bounds = array<i64: 4096, 16>}, {transform_indices = @transform_1, window_bounds = array<i64: 4096, 16>}, {pipeline_mode = #tpu.pipeline_mode<synchronous>, transform_indices = @transform_2, window_bounds = array<i64: 16, 128>}, {pipeline_mode = #tpu.pipeline_mode<synchronous>, transform_indices = @transform_3, window_bounds = array<i64: 16, 128>}, {pipeline_mode = #tpu.pipeline_mode<synchronous>, transform_indices = @transform_4, window_bounds = array<i64: 1, 128>}, {transform_indices = @transform_5, window_bounds = array<i64: 4096, 128>}]} {
    %get3A = arith.constant 0 : index
    %get3A_0 = arith.constant 0 : index
    %get3A_1 = vector.load %arg1[%get3A, %get3A_0] : memref<4096x16xf32, #tpu.memory_space<vmem>>, vector<4096x16xf32>
    %get3A_2 = arith.constant 0 : index
    %get3A_3 = arith.constant 0 : index
    %get3A_4 = vector.load %arg3[%get3A_2, %get3A_3] : memref<16x128xf32, #tpu.memory_space<vmem>>, vector<16x128xf32>
    %dot_general3A = arith.constant dense<0.000000e+00> : vector<4096x128xf32>
    %dot_general3A_5 = tpu.matmul %get3A_1, %get3A_4, %dot_general3A {dimension_numbers = #tpu.dot_dimension_numbers<[1], [0], [0], [1], [0, 0, 1, 1], [], []>, transpose_lhs_hint = false} : vector<4096x16xf32>, vector<16x128xf32>, vector<4096x128xf32> -> vector<4096x128xf32>
    %get3A_6 = arith.constant 0 : index
    %get3A_7 = arith.constant 0 : index
    %get3A_8 = vector.load %arg2[%get3A_6, %get3A_7] : memref<4096x16xf32, #tpu.memory_space<vmem>>, vector<4096x16xf32>
    %get3A_9 = arith.constant 0 : index
    %get3A_10 = arith.constant 0 : index
    %get3A_11 = vector.load %arg4[%get3A_9, %get3A_10] : memref<16x128xf32, #tpu.memory_space<vmem>>, vector<16x128xf32>
    %dot_general3A_12 = arith.constant dense<0.000000e+00> : vector<4096x128xf32>
    %dot_general3A_13 = tpu.matmul %get3A_8, %get3A_11, %dot_general3A_12 {dimension_numbers = #tpu.dot_dimension_numbers<[1], [0], [0], [1], [0, 0, 1, 1], [], []>, transpose_lhs_hint = false} : vector<4096x16xf32>, vector<16x128xf32>, vector<4096x128xf32> -> vector<4096x128xf32>
    %add3A = arith.addf %dot_general3A_5, %dot_general3A_13 : vector<4096x128xf32>
    %get3A_14 = arith.constant 0 : index
    %get3A_15 = arith.constant 0 : index
    %get3A_16 = vector.load %arg5[%get3A_14, %get3A_15] : memref<1x128xf32, #tpu.memory_space<vmem>>, vector<1x128xf32>
    %add3A_17 = vector.broadcast %get3A_16 : vector<1x128xf32> to vector<4096x128xf32>
    %add3A_18 = arith.addf %add3A, %add3A_17 : vector<4096x128xf32>
    %swap3A = arith.constant 0 : index
    %swap3A_19 = arith.constant 0 : index
    %swap3A_20 = vector.load %arg6[%swap3A, %swap3A_19] : memref<4096x128xf32, #tpu.memory_space<vmem>>, vector<4096x128xf32>
    tpu.vector_store %arg6[%swap3A, %swap3A_19], %add3A_18 {strides = array<i32>} : memref<4096x128xf32, #tpu.memory_space<vmem>>, vector<4096x128xf32>,
    return
  }
  func.func @transform_0(%arg0: i32) -> (i32, i32) {
    %c0_i32 = arith.constant 0 : i32
    %c0_i32_0 = arith.constant 0 : i32
    return %arg0, %c0_i32 : i32, i32
  }
  func.func @transform_1(%arg0: i32) -> (i32, i32) {
    %c0_i32 = arith.constant 0 : i32
    %c0_i32_0 = arith.constant 0 : i32
    return %arg0, %c0_i32 : i32, i32
  }
  func.func @transform_2(%arg0: i32) -> (i32, i32) {
    %c0_i32 = arith.constant 0 : i32
    %c0_i32_0 = arith.constant 0 : i32
    %c0_i32_1 = arith.constant 0 : i32
    return %c0_i32, %c0_i32_0 : i32, i32
  }
  func.func @transform_3(%arg0: i32) -> (i32, i32) {
    %c0_i32 = arith.constant 0 : i32
    %c0_i32_0 = arith.constant 0 : i32
    %c0_i32_1 = arith.constant 0 : i32
    return %c0_i32, %c0_i32_0 : i32, i32
  }
  func.func @transform_4(%arg0: i32) -> (i32, i32) {
    %c0_i32 = arith.constant 0 : i32
    %c0_i32_0 = arith.constant 0 : i32
    %c0_i32_1 = arith.constant 0 : i32
    return %c0_i32, %c0_i32_0 : i32, i32
  }
  func.func @transform_5(%arg0: i32) -> (i32, i32) {
    %c0_i32 = arith.constant 0 : i32
    %c0_i32_0 = arith.constant 0 : i32
    return %arg0, %c0_i32 : i32, i32
  }
}

module attributes {stable_mosaic.version = 14 : i64} {
  func.func @_node_prep_body(%arg0: i32, %arg1: memref<1000x128xf32, #tpu.memory_space<vmem>>, %arg2: memref<1000x128xf32, #tpu.memory_space<vmem>>, %arg3: memref<128x128xf32, #tpu.memory_space<vmem>>, %arg4: memref<128x128xf32, #tpu.memory_space<vmem>>, %arg5: memref<1x128xf32, #tpu.memory_space<vmem>>, %arg6: memref<128x128xf32, #tpu.memory_space<vmem>>, %arg7: memref<1000x128xf32, #tpu.memory_space<vmem>>, %arg8: memref<1000x128xf32, #tpu.memory_space<vmem>>) attributes {dimension_semantics = [#tpu.dimension_semantics<arbitrary>], iteration_bounds = array<i64: 10>, scalar_prefetch = 0 : i64, scratch_operands = 0 : i64, tpu.core_type = #tpu.core_type<tc>, window_params = [{transform_indices = @transform_0, window_bounds = array<i64: 1000, 128>}, {transform_indices = @transform_1, window_bounds = array<i64: 1000, 128>}, {pipeline_mode = #tpu.pipeline_mode<synchronous>, transform_indices = @transform_2, window_bounds = array<i64: 128, 128>}, {pipeline_mode = #tpu.pipeline_mode<synchronous>, transform_indices = @transform_3, window_bounds = array<i64: 128, 128>}, {pipeline_mode = #tpu.pipeline_mode<synchronous>, transform_indices = @transform_4, window_bounds = array<i64: 1, 128>}, {pipeline_mode = #tpu.pipeline_mode<synchronous>, transform_indices = @transform_5, window_bounds = array<i64: 128, 128>}, {transform_indices = @transform_6, window_bounds = array<i64: 1000, 128>}, {transform_indices = @transform_7, window_bounds = array<i64: 1000, 128>}]} {
    %get3A = arith.constant 0 : index
    %get3A_0 = arith.constant 0 : index
    %get3A_1 = vector.load %arg1[%get3A, %get3A_0] : memref<1000x128xf32, #tpu.memory_space<vmem>>, vector<1000x128xf32>
    %get3A_2 = arith.constant 0 : index
    %get3A_3 = arith.constant 0 : index
    %get3A_4 = vector.load %arg3[%get3A_2, %get3A_3] : memref<128x128xf32, #tpu.memory_space<vmem>>, vector<128x128xf32>
    %dot_general3A = arith.constant dense<0.000000e+00> : vector<1000x128xf32>
    %dot_general3A_5 = tpu.matmul %get3A_1, %get3A_4, %dot_general3A {dimension_numbers = #tpu.dot_dimension_numbers<[1], [0], [0], [1], [0, 0, 1, 1], [], []>, transpose_lhs_hint = false} : vector<1000x128xf32>, vector<128x128xf32>, vector<1000x128xf32> -> vector<1000x128xf32>
    %get3A_6 = arith.constant 0 : index
    %get3A_7 = arith.constant 0 : index
    %get3A_8 = vector.load %arg2[%get3A_6, %get3A_7] : memref<1000x128xf32, #tpu.memory_space<vmem>>, vector<1000x128xf32>
    %get3A_9 = arith.constant 0 : index
    %get3A_10 = arith.constant 0 : index
    %get3A_11 = vector.load %arg4[%get3A_9, %get3A_10] : memref<128x128xf32, #tpu.memory_space<vmem>>, vector<128x128xf32>
    %dot_general3A_12 = arith.constant dense<0.000000e+00> : vector<1000x128xf32>
    %dot_general3A_13 = tpu.matmul %get3A_8, %get3A_11, %dot_general3A_12 {dimension_numbers = #tpu.dot_dimension_numbers<[1], [0], [0], [1], [0, 0, 1, 1], [], []>, transpose_lhs_hint = false} : vector<1000x128xf32>, vector<128x128xf32>, vector<1000x128xf32> -> vector<1000x128xf32>
    %add3A = arith.addf %dot_general3A_5, %dot_general3A_13 : vector<1000x128xf32>
    %get3A_14 = arith.constant 0 : index
    %get3A_15 = arith.constant 0 : index
    %get3A_16 = vector.load %arg5[%get3A_14, %get3A_15] : memref<1x128xf32, #tpu.memory_space<vmem>>, vector<1x128xf32>
    %add3A_17 = vector.broadcast %get3A_16 : vector<1x128xf32> to vector<1000x128xf32>
    %add3A_18 = arith.addf %add3A, %add3A_17 : vector<1000x128xf32>
    %max3A = arith.constant 0.000000e+00 : f32
    %max3A_19 = vector.broadcast %max3A : f32 to vector<1000x128xf32>
    %max3A_20 = arith.maximumf %add3A_18, %max3A_19 : vector<1000x128xf32>
    %swap3A = arith.constant 0 : index
    %swap3A_21 = arith.constant 0 : index
    %swap3A_22 = vector.load %arg7[%swap3A, %swap3A_21] : memref<1000x128xf32, #tpu.memory_space<vmem>>, vector<1000x128xf32>
    tpu.vector_store %arg7[%swap3A, %swap3A_21], %max3A_20 {strides = array<i32>} : memref<1000x128xf32, #tpu.memory_space<vmem>>, vector<1000x128xf32>,
    %get3A_23 = arith.constant 0 : index
    %get3A_24 = arith.constant 0 : index
    %get3A_25 = vector.load %arg6[%get3A_23, %get3A_24] : memref<128x128xf32, #tpu.memory_space<vmem>>, vector<128x128xf32>
    %dot_general3A_26 = arith.constant dense<0.000000e+00> : vector<1000x128xf32>
    %dot_general3A_27 = tpu.matmul %max3A_20, %get3A_25, %dot_general3A_26 {dimension_numbers = #tpu.dot_dimension_numbers<[1], [0], [0], [1], [0, 0, 1, 1], [], []>, transpose_lhs_hint = false} : vector<1000x128xf32>, vector<128x128xf32>, vector<1000x128xf32> -> vector<1000x128xf32>
    %swap3A_28 = arith.constant 0 : index
    %swap3A_29 = arith.constant 0 : index
    %swap3A_30 = vector.load %arg8[%swap3A_28, %swap3A_29] : memref<1000x128xf32, #tpu.memory_space<vmem>>, vector<1000x128xf32>
    tpu.vector_store %arg8[%swap3A_28, %swap3A_29], %dot_general3A_27 {strides = array<i32>} : memref<1000x128xf32, #tpu.memory_space<vmem>>, vector<1000x128xf32>,
    return
  }
  func.func @transform_0(%arg0: i32) -> (i32, i32) {
    %c0_i32 = arith.constant 0 : i32
    %c0_i32_0 = arith.constant 0 : i32
    return %arg0, %c0_i32 : i32, i32
  }
  func.func @transform_1(%arg0: i32) -> (i32, i32) {
    %c0_i32 = arith.constant 0 : i32
    %c0_i32_0 = arith.constant 0 : i32
    return %arg0, %c0_i32 : i32, i32
  }
  func.func @transform_2(%arg0: i32) -> (i32, i32) {
    %c0_i32 = arith.constant 0 : i32
    %c0_i32_0 = arith.constant 0 : i32
    %c0_i32_1 = arith.constant 0 : i32
    return %c0_i32, %c0_i32_0 : i32, i32
  }
  func.func @transform_3(%arg0: i32) -> (i32, i32) {
    %c0_i32 = arith.constant 0 : i32
    %c0_i32_0 = arith.constant 0 : i32
    %c0_i32_1 = arith.constant 0 : i32
    return %c0_i32, %c0_i32_0 : i32, i32
  }
  func.func @transform_4(%arg0: i32) -> (i32, i32) {
    %c0_i32 = arith.constant 0 : i32
    %c0_i32_0 = arith.constant 0 : i32
    %c0_i32_1 = arith.constant 0 : i32
    return %c0_i32, %c0_i32_0 : i32, i32
  }
  func.func @transform_5(%arg0: i32) -> (i32, i32) {
    %c0_i32 = arith.constant 0 : i32
    %c0_i32_0 = arith.constant 0 : i32
    %c0_i32_1 = arith.constant 0 : i32
    return %c0_i32, %c0_i32_0 : i32, i32
  }
  func.func @transform_6(%arg0: i32) -> (i32, i32) {
    %c0_i32 = arith.constant 0 : i32
    %c0_i32_0 = arith.constant 0 : i32
    return %arg0, %c0_i32 : i32, i32
  }
  func.func @transform_7(%arg0: i32) -> (i32, i32) {
    %c0_i32 = arith.constant 0 : i32
    %c0_i32_0 = arith.constant 0 : i32
    return %arg0, %c0_i32 : i32, i32
  }
}

module attributes {stable_mosaic.version = 14 : i64} {
  func.func @_final_body(%arg0: i32, %arg1: memref<2x1000x128xf32, #tpu.memory_space<vmem>>, %arg2: memref<2x1000x128xf32, #tpu.memory_space<vmem>>, %arg3: memref<1000x128xf32, #tpu.memory_space<vmem>>, %arg4: memref<1000x128xf32, #tpu.memory_space<vmem>>, %arg5: memref<128x128xf32, #tpu.memory_space<vmem>>, %arg6: memref<128x128xf32, #tpu.memory_space<vmem>>, %arg7: memref<1x128xf32, #tpu.memory_space<vmem>>, %arg8: memref<128x128xf32, #tpu.memory_space<vmem>>, %arg9: memref<128x128xf32, #tpu.memory_space<vmem>>, %arg10: memref<1x128xf32, #tpu.memory_space<vmem>>, %arg11: memref<128x128xf32, #tpu.memory_space<vmem>>, %arg12: memref<128x128xf32, #tpu.memory_space<vmem>>, %arg13: memref<1x128xf32, #tpu.memory_space<vmem>>, %arg14: memref<1000x128xf32, #tpu.memory_space<vmem>>) attributes {dimension_semantics = [#tpu.dimension_semantics<arbitrary>], iteration_bounds = array<i64: 10>, scalar_prefetch = 0 : i64, scratch_operands = 0 : i64, tpu.core_type = #tpu.core_type<tc>, window_params = [{transform_indices = @transform_0, window_bounds = array<i64: 2, 1000, 128>}, {transform_indices = @transform_1, window_bounds = array<i64: 2, 1000, 128>}, {transform_indices = @transform_2, window_bounds = array<i64: 1000, 128>}, {transform_indices = @transform_3, window_bounds = array<i64: 1000, 128>}, {pipeline_mode = #tpu.pipeline_mode<synchronous>, transform_indices = @transform_4, window_bounds = array<i64: 128, 128>}, {pipeline_mode = #tpu.pipeline_mode<synchronous>, transform_indices = @transform_5, window_bounds = array<i64: 128, 128>}, {pipeline_mode = #tpu.pipeline_mode<synchronous>, transform_indices = @transform_6, window_bounds = array<i64: 1, 128>}, {pipeline_mode = #tpu.pipeline_mode<synchronous>, transform_indices = @transform_7, window_bounds = array<i64: 128, 128>}, {pipeline_mode = #tpu.pipeline_mode<synchronous>, transform_indices = @transform_8, window_bounds = array<i64: 128, 128>}, {pipeline_mode = #tpu.pipeline_mode<synchronous>, transform_indices = @transform_9, window_bounds = array<i64: 1, 128>}, {pipeline_mode = #tpu.pipeline_mode<synchronous>, transform_indices = @transform_10, window_bounds = array<i64: 128, 128>}, {pipeline_mode = #tpu.pipeline_mode<synchronous>, transform_indices = @transform_11, window_bounds = array<i64: 128, 128>}, {pipeline_mode = #tpu.pipeline_mode<synchronous>, transform_indices = @transform_12, window_bounds = array<i64: 1, 128>}, {transform_indices = @transform_13, window_bounds = array<i64: 1000, 128>}]} {
    %get3A = arith.constant 0 : index
    %get3A_0 = arith.constant 0 : index
    %get3A_1 = arith.constant 0 : index
    %get3A_2 = vector.load %arg2[%get3A, %get3A_0, %get3A_1] : memref<2x1000x128xf32, #tpu.memory_space<vmem>>, vector<1x1000x1xf32>
    %get3A_3 = vector.shape_cast %get3A_2 : vector<1x1000x1xf32> to vector<1000x1xf32>
    %get3A_4 = arith.constant 1 : index
    %get3A_5 = arith.constant 0 : index
    %get3A_6 = arith.constant 0 : index
    %get3A_7 = vector.load %arg2[%get3A_4, %get3A_5, %get3A_6] : memref<2x1000x128xf32, #tpu.memory_space<vmem>>, vector<1x1000x1xf32>
    %get3A_8 = vector.shape_cast %get3A_7 : vector<1x1000x1xf32> to vector<1000x1xf32>
    %add3A = arith.addf %get3A_3, %get3A_8 : vector<1000x1xf32>
    %get3A_9 = arith.constant 0 : index
    %get3A_10 = arith.constant 0 : index
    %get3A_11 = arith.constant 0 : index
    %get3A_12 = vector.load %arg1[%get3A_9, %get3A_10, %get3A_11] : memref<2x1000x128xf32, #tpu.memory_space<vmem>>, vector<1x1000x128xf32>
    %get3A_13 = vector.shape_cast %get3A_12 : vector<1x1000x128xf32> to vector<1000x128xf32>
    %get3A_14 = arith.constant 1 : index
    %get3A_15 = arith.constant 0 : index
    %get3A_16 = arith.constant 0 : index
    %get3A_17 = vector.load %arg1[%get3A_14, %get3A_15, %get3A_16] : memref<2x1000x128xf32, #tpu.memory_space<vmem>>, vector<1x1000x128xf32>
    %get3A_18 = vector.shape_cast %get3A_17 : vector<1x1000x128xf32> to vector<1000x128xf32>
    %add3A_19 = arith.addf %get3A_13, %get3A_18 : vector<1000x128xf32>
    %max3A = arith.constant 1.000000e+00 : f32
    %max3A_20 = vector.broadcast %max3A : f32 to vector<1000x1xf32>
    %max3A_21 = arith.maximumf %add3A, %max3A_20 : vector<1000x1xf32>
    %div3A = vector.broadcast %max3A_21 : vector<1000x1xf32> to vector<1000x128xf32>
    %div3A_22 = arith.divf %add3A_19, %div3A : vector<1000x128xf32>
    %get3A_23 = arith.constant 0 : index
    %get3A_24 = arith.constant 0 : index
    %get3A_25 = vector.load %arg3[%get3A_23, %get3A_24] : memref<1000x128xf32, #tpu.memory_space<vmem>>, vector<1000x128xf32>
    %get3A_26 = arith.constant 0 : index
    %get3A_27 = arith.constant 0 : index
    %get3A_28 = vector.load %arg5[%get3A_26, %get3A_27] : memref<128x128xf32, #tpu.memory_space<vmem>>, vector<128x128xf32>
    %dot_general3A = arith.constant dense<0.000000e+00> : vector<1000x128xf32>
    %dot_general3A_29 = tpu.matmul %get3A_25, %get3A_28, %dot_general3A {dimension_numbers = #tpu.dot_dimension_numbers<[1], [0], [0], [1], [0, 0, 1, 1], [], []>, transpose_lhs_hint = false} : vector<1000x128xf32>, vector<128x128xf32>, vector<1000x128xf32> -> vector<1000x128xf32>
    %get3A_30 = arith.constant 0 : index
    %get3A_31 = arith.constant 0 : index
    %get3A_32 = vector.load %arg6[%get3A_30, %get3A_31] : memref<128x128xf32, #tpu.memory_space<vmem>>, vector<128x128xf32>
    %dot_general3A_33 = arith.constant dense<0.000000e+00> : vector<1000x128xf32>
    %dot_general3A_34 = tpu.matmul %div3A_22, %get3A_32, %dot_general3A_33 {dimension_numbers = #tpu.dot_dimension_numbers<[1], [0], [0], [1], [0, 0, 1, 1], [], []>, transpose_lhs_hint = false} : vector<1000x128xf32>, vector<128x128xf32>, vector<1000x128xf32> -> vector<1000x128xf32>
    %add3A_35 = arith.addf %dot_general3A_29, %dot_general3A_34 : vector<1000x128xf32>
    %get3A_36 = arith.constant 0 : index
    %get3A_37 = arith.constant 0 : index
    %get3A_38 = vector.load %arg7[%get3A_36, %get3A_37] : memref<1x128xf32, #tpu.memory_space<vmem>>, vector<1x128xf32>
    %add3A_39 = vector.broadcast %get3A_38 : vector<1x128xf32> to vector<1000x128xf32>
    %add3A_40 = arith.addf %add3A_35, %add3A_39 : vector<1000x128xf32>
    %max3A_41 = arith.constant 0.000000e+00 : f32
    %max3A_42 = vector.broadcast %max3A_41 : f32 to vector<1000x128xf32>
    %max3A_43 = arith.maximumf %add3A_40, %max3A_42 : vector<1000x128xf32>
    %get3A_44 = arith.constant 0 : index
    %get3A_45 = arith.constant 0 : index
    %get3A_46 = vector.load %arg4[%get3A_44, %get3A_45] : memref<1000x128xf32, #tpu.memory_space<vmem>>, vector<1000x128xf32>
    %get3A_47 = arith.constant 0 : index
    %get3A_48 = arith.constant 0 : index
    %get3A_49 = vector.load %arg8[%get3A_47, %get3A_48] : memref<128x128xf32, #tpu.memory_space<vmem>>, vector<128x128xf32>
    %dot_general3A_50 = arith.constant dense<0.000000e+00> : vector<1000x128xf32>
    %dot_general3A_51 = tpu.matmul %get3A_46, %get3A_49, %dot_general3A_50 {dimension_numbers = #tpu.dot_dimension_numbers<[1], [0], [0], [1], [0, 0, 1, 1], [], []>, transpose_lhs_hint = false} : vector<1000x128xf32>, vector<128x128xf32>, vector<1000x128xf32> -> vector<1000x128xf32>
    %get3A_52 = arith.constant 0 : index
    %get3A_53 = arith.constant 0 : index
    %get3A_54 = vector.load %arg9[%get3A_52, %get3A_53] : memref<128x128xf32, #tpu.memory_space<vmem>>, vector<128x128xf32>
    %dot_general3A_55 = arith.constant dense<0.000000e+00> : vector<1000x128xf32>
    %dot_general3A_56 = tpu.matmul %max3A_43, %get3A_54, %dot_general3A_55 {dimension_numbers = #tpu.dot_dimension_numbers<[1], [0], [0], [1], [0, 0, 1, 1], [], []>, transpose_lhs_hint = false} : vector<1000x128xf32>, vector<128x128xf32>, vector<1000x128xf32> -> vector<1000x128xf32>
    %add3A_57 = arith.addf %dot_general3A_51, %dot_general3A_56 : vector<1000x128xf32>
    %get3A_58 = arith.constant 0 : index
    %get3A_59 = arith.constant 0 : index
    %get3A_60 = vector.load %arg10[%get3A_58, %get3A_59] : memref<1x128xf32, #tpu.memory_space<vmem>>, vector<1x128xf32>
    %add3A_61 = vector.broadcast %get3A_60 : vector<1x128xf32> to vector<1000x128xf32>
    %add3A_62 = arith.addf %add3A_57, %add3A_61 : vector<1000x128xf32>
    %tanh3A = math.tanh %add3A_62 : vector<1000x128xf32>
    %get3A_63 = arith.constant 0 : index
    %get3A_64 = arith.constant 0 : index
    %get3A_65 = vector.load %arg4[%get3A_63, %get3A_64] : memref<1000x128xf32, #tpu.memory_space<vmem>>, vector<1000x128xf32>
    %get3A_66 = arith.constant 0 : index
    %get3A_67 = arith.constant 0 : index
    %get3A_68 = vector.load %arg11[%get3A_66, %get3A_67] : memref<128x128xf32, #tpu.memory_space<vmem>>, vector<128x128xf32>
    %dot_general3A_69 = arith.constant dense<0.000000e+00> : vector<1000x128xf32>
    %dot_general3A_70 = tpu.matmul %get3A_65, %get3A_68, %dot_general3A_69 {dimension_numbers = #tpu.dot_dimension_numbers<[1], [0], [0], [1], [0, 0, 1, 1], [], []>, transpose_lhs_hint = false} : vector<1000x128xf32>, vector<128x128xf32>, vector<1000x128xf32> -> vector<1000x128xf32>
    %get3A_71 = arith.constant 0 : index
    %get3A_72 = arith.constant 0 : index
    %get3A_73 = vector.load %arg12[%get3A_71, %get3A_72] : memref<128x128xf32, #tpu.memory_space<vmem>>, vector<128x128xf32>
    %dot_general3A_74 = arith.constant dense<0.000000e+00> : vector<1000x128xf32>
    %dot_general3A_75 = tpu.matmul %tanh3A, %get3A_73, %dot_general3A_74 {dimension_numbers = #tpu.dot_dimension_numbers<[1], [0], [0], [1], [0, 0, 1, 1], [], []>, transpose_lhs_hint = false} : vector<1000x128xf32>, vector<128x128xf32>, vector<1000x128xf32> -> vector<1000x128xf32>
    %add3A_76 = arith.addf %dot_general3A_70, %dot_general3A_75 : vector<1000x128xf32>
    %get3A_77 = arith.constant 0 : index
    %get3A_78 = arith.constant 0 : index
    %get3A_79 = vector.load %arg13[%get3A_77, %get3A_78] : memref<1x128xf32, #tpu.memory_space<vmem>>, vector<1x128xf32>
    %add3A_80 = vector.broadcast %get3A_79 : vector<1x128xf32> to vector<1000x128xf32>
    %add3A_81 = arith.addf %add3A_76, %add3A_80 : vector<1000x128xf32>
    %neg3A = arith.constant 0.000000e+00 : f32
    %neg3A_82 = vector.broadcast %neg3A : f32 to vector<1000x128xf32>
    %neg3A_83 = arith.subf %neg3A_82, %add3A_81 : vector<1000x128xf32>
    %exp3A = math.exp %neg3A_83 : vector<1000x128xf32>
    %add3A_84 = arith.constant 1.000000e+00 : f32
    %add3A_85 = vector.broadcast %add3A_84 : f32 to vector<1000x128xf32>
    %add3A_86 = arith.addf %add3A_85, %exp3A : vector<1000x128xf32>
    %div3A_87 = arith.constant 1.000000e+00 : f32
    %div3A_88 = vector.broadcast %div3A_87 : f32 to vector<1000x128xf32>
    %div3A_89 = arith.divf %div3A_88, %add3A_86 : vector<1000x128xf32>
    %mul3A = arith.mulf %div3A_89, %tanh3A : vector<1000x128xf32>
    %sub3A = arith.constant 1.000000e+00 : f32
    %sub3A_90 = vector.broadcast %sub3A : f32 to vector<1000x128xf32>
    %sub3A_91 = arith.subf %sub3A_90, %div3A_89 : vector<1000x128xf32>
    %get3A_92 = arith.constant 0 : index
    %get3A_93 = arith.constant 0 : index
    %get3A_94 = vector.load %arg4[%get3A_92, %get3A_93] : memref<1000x128xf32, #tpu.memory_space<vmem>>, vector<1000x128xf32>
    %mul3A_95 = arith.mulf %sub3A_91, %get3A_94 : vector<1000x128xf32>
    %add3A_96 = arith.addf %mul3A, %mul3A_95 : vector<1000x128xf32>
    %swap3A = arith.constant 0 : index
    %swap3A_97 = arith.constant 0 : index
    %swap3A_98 = vector.load %arg14[%swap3A, %swap3A_97] : memref<1000x128xf32, #tpu.memory_space<vmem>>, vector<1000x128xf32>
    tpu.vector_store %arg14[%swap3A, %swap3A_97], %add3A_96 {strides = array<i32>} : memref<1000x128xf32, #tpu.memory_space<vmem>>, vector<1000x128xf32>,
    return
  }
  func.func @transform_0(%arg0: i32) -> (i32, i32, i32) {
    %c0_i32 = arith.constant 0 : i32
    %c0_i32_0 = arith.constant 0 : i32
    %c0_i32_1 = arith.constant 0 : i32
    return %c0_i32, %arg0, %c0_i32_0 : i32, i32, i32
  }
  func.func @transform_1(%arg0: i32) -> (i32, i32, i32) {
    %c0_i32 = arith.constant 0 : i32
    %c0_i32_0 = arith.constant 0 : i32
    %c0_i32_1 = arith.constant 0 : i32
    return %c0_i32, %arg0, %c0_i32_0 : i32, i32, i32
  }
  func.func @transform_2(%arg0: i32) -> (i32, i32) {
    %c0_i32 = arith.constant 0 : i32
    %c0_i32_0 = arith.constant 0 : i32
    return %arg0, %c0_i32 : i32, i32
  }
  func.func @transform_3(%arg0: i32) -> (i32, i32) {
    %c0_i32 = arith.constant 0 : i32
    %c0_i32_0 = arith.constant 0 : i32
    return %arg0, %c0_i32 : i32, i32
  }
  func.func @transform_4(%arg0: i32) -> (i32, i32) {
    %c0_i32 = arith.constant 0 : i32
    %c0_i32_0 = arith.constant 0 : i32
    %c0_i32_1 = arith.constant 0 : i32
    return %c0_i32, %c0_i32_0 : i32, i32
  }
  func.func @transform_5(%arg0: i32) -> (i32, i32) {
    %c0_i32 = arith.constant 0 : i32
    %c0_i32_0 = arith.constant 0 : i32
    %c0_i32_1 = arith.constant 0 : i32
    return %c0_i32, %c0_i32_0 : i32, i32
  }
  func.func @transform_6(%arg0: i32) -> (i32, i32) {
    %c0_i32 = arith.constant 0 : i32
    %c0_i32_0 = arith.constant 0 : i32
    %c0_i32_1 = arith.constant 0 : i32
    return %c0_i32, %c0_i32_0 : i32, i32
  }
  func.func @transform_7(%arg0: i32) -> (i32, i32) {
    %c0_i32 = arith.constant 0 : i32
    %c0_i32_0 = arith.constant 0 : i32
    %c0_i32_1 = arith.constant 0 : i32
    return %c0_i32, %c0_i32_0 : i32, i32
  }
  func.func @transform_8(%arg0: i32) -> (i32, i32) {
    %c0_i32 = arith.constant 0 : i32
    %c0_i32_0 = arith.constant 0 : i32
    %c0_i32_1 = arith.constant 0 : i32
    return %c0_i32, %c0_i32_0 : i32, i32
  }
  func.func @transform_9(%arg0: i32) -> (i32, i32) {
    %c0_i32 = arith.constant 0 : i32
    %c0_i32_0 = arith.constant 0 : i32
    %c0_i32_1 = arith.constant 0 : i32
    return %c0_i32, %c0_i32_0 : i32, i32
  }
  func.func @transform_10(%arg0: i32) -> (i32, i32) {
    %c0_i32 = arith.constant 0 : i32
    %c0_i32_0 = arith.constant 0 : i32
    %c0_i32_1 = arith.constant 0 : i32
    return %c0_i32, %c0_i32_0 : i32, i32
  }
  func.func @transform_11(%arg0: i32) -> (i32, i32) {
    %c0_i32 = arith.constant 0 : i32
    %c0_i32_0 = arith.constant 0 : i32
    %c0_i32_1 = arith.constant 0 : i32
    return %c0_i32, %c0_i32_0 : i32, i32
  }
  func.func @transform_12(%arg0: i32) -> (i32, i32) {
    %c0_i32 = arith.constant 0 : i32
    %c0_i32_0 = arith.constant 0 : i32
    %c0_i32_1 = arith.constant 0 : i32
    return %c0_i32, %c0_i32_0 : i32, i32
  }
  func.func @transform_13(%arg0: i32) -> (i32, i32) {
    %c0_i32 = arith.constant 0 : i32
    %c0_i32_0 = arith.constant 0 : i32
    return %arg0, %c0_i32 : i32, i32
  }
}

</mosaic_0001>

<sc_bundles>
// kernel: kernel.10.cloned.1.call-start
scs
__scs_entry_jumppad:
0x0: {  	(pc) =	sbr.rel $0x88, $3  }
0x1: {  	(tag) =	ssettag $0x0;
	lr =	simm.s32 $0x1  }
0x2: {  	[smem:$0x3F92] =	sst lr;
	_ =	strace $0xD0000000  }
0x3: {  	_ = 	snop  }
0x4: {  	_ = 	snop  }
0x5: {  	_ = 	snop  }
0x6: {  	_ = 	snop  }
0x7: {  	_ = 	snop  }
__scs_overlays_trampoline_lowered:
0x8: {  	[smem:$0x3FA1] =	sst s0  }
0x9: {  	[smem:$0x3FA2] =	sst s1  }
0xa: {  	[smem:$0x3FA3] =	sst s2  }
0xb: {  	[smem:$0x3FA4] =	sst s3  }
0xc: {  	[smem:$0x3FA5] =	sst s4  }
0xd: {  	[smem:$0x3FA6] =	sst s5  }
0xe: {  	[smem:$0x3FA7] =	sst s6  }
0xf: {  	[smem:$0x3FA8] =	sst s7  }
0x10: {  	[smem:$0x3FA9] =	sst s8  }
0x11: {  	[smem:$0x3FAA] =	sst s9;
	s0 =	simm.s32 @!p0 $0x0  }
0x12: {  	s1 =	sld [smem:$0x3F90];
	s0 =	simm.s32 @p0 $0x1  }
0x13: {  	[smem:$0x3FAB] =	sst s0;
	s0 =	simm.s32 @!p1 $0x0  }
0x14: {  	s2 =	sld [smem:$0x3F8F];
	s0 =	simm.s32 @p1 $0x1  }
0x15: {  	[smem:$0x3FAC] =	sst s0;
	s0 =	simm.s32 @!p2 $0x0  }
0x16: {  	s3 =	sld [smem:$0x3FDB];
	s0 =	simm.s32 @p2 $0x1  }
0x17: {  	s4 =	simm.s32 $0x1BF5;
	[smem:$0x3FAE] =	sst s0  }
0x18: {  	s0 =	sld [smem:$0x3F91];
	_ =	swait.ge [sflag:s4], $0x0  }
0x19: {  	s7 =	sld [smem:$0x3F92]  }
0x1a: {  	s8 =	sadd.s32 $0xFFFFE003, lr  }
0x1b: {  	s9 =	sadd.s32 $0xFFFFFEF7, lr;
	s5 =	simm.s32 $0xFFFFFFFF;
	p2 =	slt.u32 s8, $0xFFFFF086  }
0x1c: {  	p1 =	slt.u32 s9, $0xF7A;
	s5 =	simm.s32 @!p2 $0x0  }
0x1d: {  	s5 =	simm.s32 @p1 $0x1;
	p0 =	seq.s32 s7, s2  }
0x1e: {  	s7 =	smul.u32 @!p0 $0xF7A, s2;
	p2 =	seq.s32 @!p0 s5, $0x0  }
0x1f: {  	s9 =	smul.u32 $0xF7A, s1;
	s8 =	simm.s32 @!p0 $0x1BF5;
	p2 =	por !p2, p0  }
0x20: {  	[sflag:s8] =	ssyncset.s32 @!p0 $0xFFFFF086;
	s6 =	sadd.s32 @!p0 s3, s7;
	s7 =	simm.s32 @!p0 $0x108  }
0x21: {  	s3 =	sadd.s32 s3, s9;
	s6 =	sadd.s32 @!p0 $0x88, s6;
	s7 =	simm.s32 @p2 $0x1082  }
0x22: {  	[simem:s7], [sflag:s8] =	dma.local @!p0 [hbm:s6], $0xF7A  }
0x23: {  	s9 =	sor.u32 $0xD0000000, s2;
	s6 =	simm.s32 $0x108;
	_ =	swait.ge @!p0 [sflag:s8], $0x0  }
0x24: {  	s3 =	sadd.s32 $0x88, s3;
	s6 =	simm.s32 @!p1 $0x1082;
	[sflag:s4] =	ssyncset.s32 $0xFFFFF086  }
0x25: {  	[simem:s6], [sflag:s4] =	dma.local [hbm:s3], $0xF7A  }
0x26: {  	[smem:$0x3F92] =	sst s1;
	(tag) =	ssettag s2;
	_ =	strace s9  }
0x27: {  	s1 =	sld [smem:$0x3FA2]  }
0x28: {  	s2 =	sld [smem:$0x3FA3]  }
0x29: {  	s4 =	sld [smem:$0x3FA5]  }
0x2a: {  	p0 =	seq.s32 s5, $0x0;
	s5 =	sld [smem:$0x3FA6]  }
0x2b: {  	s6 =	sld [smem:$0x3FA7]  }
0x2c: {  	s7 =	sld [smem:$0x3FA8]  }
0x2d: {  	s3 =	simm.s32 $0x108;
	s8 =	sld [smem:$0x3FA9]  }
0x2e: {  	s3 =	simm.s32 @!p0 $0x1082;
	s9 =	sld [smem:$0x3FAA]  }
0x2f: {  	lr =	sadd.s32 s0, s3;
	s0 =	sld [smem:$0x3FA1]  }
0x30: {  	s3 =	sld [smem:$0x3FA4]  }
0x31: {  	[smem:$0x3FAD] =	sst s10  }
0x32: {  	s10 =	sld [smem:$0x3FAB];
	_ =	sdelay $0x3  }
0x33: {  	p0 =	seq.s32 s10, $0x1;
	s10 =	sld [smem:$0x3FAD];
	_ =	sdelay $0x3  }
0x34: {  	[smem:$0x3FAD] =	sst s10  }
0x35: {  	s10 =	sld [smem:$0x3FAC];
	_ =	sdelay $0x3  }
0x36: {  	p1 =	seq.s32 s10, $0x1;
	s10 =	sld [smem:$0x3FAD];
	_ =	sdelay $0x3  }
0x37: {  	[smem:$0x3FAD] =	sst s10  }
0x38: {  	s10 =	sld [smem:$0x3FAE]  }
0x39: {  	_ = 	snop;
	(pc) =	sbr.ind lr, $3  }
0x3a: {  	_ = 	snop  }
0x3b: {  	_ = 	snop  }
0x3c: {  	p2 =	seq.s32 s10, $0x1;
	s10 =	sld [smem:$0x3FAD]  }
0x3d: {  	_ =	shalt  }
0x3e: {  	_ =	shalt  }
0x3f: {  	_ =	shalt  }
0x40: {  	_ =	shalt  }
0x41: {  	_ =	shalt  }
0x42: {  	_ =	shalt  }
0x43: {  	_ =	shalt  }
0x44: {  	_ =	shalt  }
0x45: {  	_ =	shalt  }
0x46: {  	_ =	shalt  }
0x47: {  	_ =	shalt  }
0x48: {  	_ =	shalt  }
0x49: {  	_ =	shalt  }
0x4a: {  	_ =	shalt  }
0x4b: {  	_ =	shalt  }
0x4c: {  	_ =	shalt  }
0x4d: {  	_ =	shalt  }
0x4e: {  	_ =	shalt  }
0x4f: {  	_ =	shalt  }
0x50: {  	_ =	shalt  }
0x51: {  	_ =	shalt  }
0x52: {  	_ =	shalt  }
0x53: {  	_ =	shalt  }
0x54: {  	_ =	shalt  }
0x55: {  	_ =	shalt  }
0x56: {  	_ =	shalt  }
0x57: {  	_ =	shalt  }
0x58: {  	_ =	shalt  }
0x59: {  	_ =	shalt  }
0x5a: {  	_ =	shalt  }
0x5b: {  	_ =	shalt  }
0x5c: {  	_ =	shalt  }
0x5d: {  	_ =	shalt  }
0x5e: {  	_ =	shalt  }
0x5f: {  	_ =	shalt  }
0x60: {  	_ =	shalt  }
0x61: {  	_ =	shalt  }
0x62: {  	_ =	shalt  }
0x63: {  	_ =	shalt  }
0x64: {  	_ =	shalt  }
0x65: {  	_ =	shalt  }
0x66: {  	_ =	shalt  }
0x67: {  	_ =	shalt  }
0x68: {  	_ =	shalt  }
0x69: {  	_ =	shalt  }
0x6a: {  	_ =	shalt  }
0x6b: {  	_ =	shalt  }
0x6c: {  	_ =	shalt  }
0x6d: {  	_ =	shalt  }
0x6e: {  	_ =	shalt  }
0x6f: {  	_ =	shalt  }
0x70: {  	_ =	shalt  }
0x71: {  	_ =	shalt  }
0x72: {  	_ =	shalt  }
0x73: {  	_ =	shalt  }
0x74: {  	_ =	shalt  }
0x75: {  	_ =	shalt  }
0x76: {  	_ =	shalt  }
0x77: {  	_ =	shalt  }
0x78: {  	_ =	shalt  }
0x79: {  	_ =	shalt  }
0x7a: {  	_ =	shalt  }
0x7b: {  	_ =	shalt  }
0x7c: {  	_ =	shalt  }
0x7d: {  	_ =	shalt  }
0x7e: {  	_ =	shalt  }
0x7f: {  	_ =	shalt  }
0x80: {  	_ =	shalt  }
0x81: {  	_ =	shalt  }
0x82: {  	_ =	shalt  }
0x83: {  	_ =	shalt  }
0x84: {  	_ =	shalt  }
0x85: {  	_ =	shalt  }
0x86: {  	_ =	shalt  }
0x87: {  	_ =	shalt  }
.Lfunc_end0:
.L_simem_size_0:
called_computation.1_lowered:
.L_overlay_start_0:
0x88: {  	s2 =	sld [smem:$0x3FD9]  }
0x89: {  	s3 =	sld [smem:$0x3FFE];
	_ =	sdelay $0x1  }
0x8a: {  	s1 =	srdreg.scid  }
0x8b: {  	s0 =	sand.u32 $0x1, s1  }
0x8c: {  	s17 =	sshll.u32 s0, $0xA;
	s2 =	sadd.s32 s3, s2  }
0x8d: {  	s2 =	sadd.s32 s2, s17  }
0x8e: {  	[smem:$0x3FB9] =	sst s2  }
0x8f: {  	_ = 	snop  }
0x90: {  	(tm) =	ssettm $0x1  }
0x91: {  	s18 =	sld [smem:$0x3FFB];
	_ =	sdelay $0x3  }
0x92: {  	_ =	strace s18  }
0x93: {  	s2 =	sld [smem:$0x3FFC];
	_ =	sdelay $0x3  }
0x94: {  	_ =	strace s2  }
0x95: {  	s2 =	sld [smem:$0x3FFD];
	_ =	sdelay $0x3  }
0x96: {  	_ =	strace s2  }
0x97: {  	_ =	strace $0x8FFFFFFF  }
0x98: {  	s19 =	sld [smem:$0x3FDB];
	_ =	sdelay $0x1  }
0x99: {  	s20 =	simm.s32 $_scs_section_size  }
0x9a: {  	s4 =	simm.s32 $_size__tile_overlayer_lowered;
	s5 =	simm.s32 $_tile_overlayer_lowered  }
0x9b: {  	s6 =	simm.s32 $0x1BFF;
	s21 =	sshll.u32 s5, $0x1;
	s3 =	sadd.s32 s20, s19  }
0x9c: {  	s22 =	simm.s32 $0x0;
	s4 =	sshll.u32 s4, $0x1;
	s5 =	sadd.s32 s21, s3  }
0x9d: {  	[timem:s22], [sflag:s6] =	dma.local [hbm:s5], s4  }
0x9e: {  	_ =	swait.ge [sflag:s6], s4  }
0x9f: {  	s4 =	ssub.s32 $0x0, s4;
	[sflag:s6] =	ssyncset.done $0x0  }
0xa0: {  	[sflag:s6] =	ssyncadd.s32 s4;
	_ =	sdelay $0x1  }
0xa1: {  	s23 =	simm.s32 $0x1B8B  }
0xa2: {  	_ =	swait.ge [sflag:s23], $0x1  }
0xa3: {  	[sflag:s23] =	ssyncset.done $0x0  }
0xa4: {  	[sflag:s23] =	ssyncadd.s32 $0xFFFFFFFF  }
0xa5: {  	s4 =	sld [smem:$0x0]  }
0xa6: {  	s5 =	sand.u32 $0xFFFFFFFE, s1  }
0xa7: {  	p0 =	sne.s32 s1, s5  }
0xa8: {  	s5 =	sshll.u32 @p0 s5, $0xE  }
0xa9: {  	s5 =	sadd.s32 @p0 $0x11B8D, s5;
	s6 =	sshll.u32 @p0 s4, $0x11  }
0xaa: {  	s5 =	sor.u32 @p0 s6, s5  }
0xab: {  	[sflag:s5] =	ssyncadd.remote.s32 @p0 $0x1;
	_ =	sdelay $0x1  }
0xac: {  	s5 =	simm.s32 @p0 $0x1B8D  }
0xad: {  	_ =	swait.eq @p0 [sflag:s5], $0x1  }
0xae: {  	[sflag:s5] =	ssyncadd.s32 @p0 $0xFFFFFFFF  }
0xaf: {  	s6 =	sshll.u32 @!p0 s1, $0xE  }
0xb0: {  	s6 =	sor.u32 @!p0 $0x4000, s6;
	s5 =	simm.s32 @!p0 $0x1B8D  }
0xb1: {  	s4 =	sshll.u32 @!p0 s4, $0x11;
	s6 =	sadd.s32 @!p0 $0x11B8D, s6;
	_ =	swait.eq @!p0 [sflag:s5], $0x1  }
0xb2: {  	s4 =	sor.u32 @!p0 s4, s6;
	[sflag:s5] =	ssyncadd.s32 @!p0 $0xFFFFFFFF  }
0xb3: {  	s25 =	simm.s32 $0x1B8E;
	s24 =	sld [smem:$0x3FFE];
	[sflag:s4] =	ssyncadd.remote.s32 @!p0 $0x1  }
0xb4: {  	s26 =	simm.s32 $execute0_lowered;
	[smem:$0x3FD2] =	sst s25  }
0xb5: {  	s5 =	sshll.u32 s26, $0x1;
	_ =	strace $0x80000049;
	[dreg:$0x1] =	wrdreg $0xFFFFFFFF  }
0xb6: {  	s28 =	simm.s32 $_size_execute0_lowered;
	s3 =	sadd.s32 s3, s5;
	[dreg:$0x0] =	wrdreg $0x0  }
0xb7: {  	s5 =	sshll.u32 s28, $0x1;
	[dreg:$0x2] =	wrdreg s3  }
0xb8: {  	[dreg:$0x3] =	wrdreg s5  }
0xb9: {  	[dreg:$0x4] =	wrdreg $0xC0  }
0xba: {  	_ =	task [dreg:s22], $0x5FFFF  }
0xbb: {  	[dreg:$0x1] =	wrdreg $0xFFFFFFFF  }
0xbc: {  	[dreg:$0x0] =	wrdreg $0x60  }
0xbd: {  	[dreg:$0x2] =	wrdreg s24  }
0xbe: {  	[dreg:$0x3] =	wrdreg $0x40800  }
0xbf: {  	[dreg:$0x4] =	wrdreg $0xA  }
0xc0: {  	_ =	task.clear_ibuf [dreg:s22], $0x5FFFF;
	_ =	strace $0x90000049  }
0xc1: {  	s29 =	simm.s32 $0xA;
	_ =	strace $0x8000004B  }
0xc2: {  	_ =	swait.ge [sflag:s29], $0x1  }
0xc3: {  	[sflag:s29] =	ssyncadd.s32 $0xFFFFFFFF  }
0xc4: {  	_ =	strace $0x9000004B  }
0xc5: {  	_ =	sfence  }
0xc6: {  	s30 =	sld [smem:$0x0];
	_ =	sdelay $0x2  }
0xc7: {  	s31 =	sshll.u32 s1, $0xD;
	s1 =	sshrl.u32 s1, $0x2  }
0xc8: {  	s4 =	sand.u32 $0x4000, s31;
	s1 =	sadd.s32 s1, s30  }
0xc9: {  	s0 =	sor.u32 s4, s0;
	s1 =	sshll.u32 s1, $0x11  }
0xca: {  	s0 =	sor.u32 s1, s0  }
0xcb: {  	s0 =	sadd.s32 $0x8F2B, s0  }
0xcc: {  	[sflag:s0] =	ssyncadd.remote.s32 $0x1  }
0xcd: {  	_ =	sfence.sel $0xFFFF  }
0xce: {  	[dreg:$0x0] =	wrdreg $0xFFFFFFFF;
	(pc) =	sbr.abs _section_cstart, $3  }
0xcf: {  	[dreg:$0x1] =	wrdreg $0xFFFFFFFF  }
0xd0: {  	_ =	task.clear_ibuf [dreg:s22], $0x2FFFF;
	_ =	strace $0x9FFFFFFF  }
0xd1: {  	(tm) =	ssettm $0x7FFFFFFF  }
tec
execute0_lowered:
.L_overlay_start_1:
0x0: {  	(tag) =	ssettag $0x1  }
0x1: {  	s4 =	rddreg [dreg:$0x0]  }
0x2: {  	s0 =	srdreg.scid;
	s2 =	rddreg [dreg:$0x1]  }
0x3: {  	s1 =	rddreg [dreg:$0x2];
	s5 =	sand.u32 $0x1, s0  }
0x4: {  	s0 =	stileid.u32;
	s6 =	smul.u32 $0x13C000, s5  }
0x5: {  	s3 =	simm.s32 $0x0;
	s13 =	simm.s32 $0x1;
	s7 =	smul.u32 $0x13C00, s0  }
0x6: {  	s16 =	simm.s32 $0x0;
	[smem:$0x7FF] =	sst s3;
	s8 =	smul.u32 $0x4F00, s5  }
0x7: {  	s29 =	smul.u32 $0x4F000, s0;
	_ =	strace $0x8000004A;
	s5 =	ssub.s32 $0x2, s5  }
0x8: {  	s11 =	smul.u32 $0x4F0, s0;
	s14 =	sshll.u32 s0, $0x6;
	s31 =	sshrl.u32 s5, $0x1  }
0x9: {  	s14 =	sor.u32 $0x1C01, s14;
	s6 =	sadd.s32 s7, s6;
	s9 =	sadd.s32 s8, s4  }
0xa: {  	s30 =	sshrl.u32 s29, $0x2;
	s12 =	ssub.s32 s5, s31;
	s6 =	sshrl.u32 s6, $0x3  }
0xb: {  	s11 =	sadd.s32 s11, s9;
	s10 =	sadd.s32 s6, s4;
	s4 =	sadd.s32 s30, s2  }
0xc: {  	s11 =	sadd.s32 $0x9D4C00, s11;
	s5 =	sadd.s32 $0x4000, s4;
	s6 =	sadd.s32 $0x8000, s4  }
0xd: {  	v0 =	vimm.f32 $0.0e+00;
	vm0 =	vcmask $0x300;
	s7 =	sadd.s32 $0xC000, s4;
	s8 =	sadd.s32 $0x10000, s4;
	s9 =	sadd.s32 $0x7C000, s10  }
0xe: {  	v1 =	vsel vm0, $0x3F800000, v0;
	s10 =	smax.u32 s12, $0x1;
	s12 =	simm.s32 $0x80;
	s15 =	sshrl.u32 s4, $0x3  }
.LBB2_1:
0xf: {  	s17 =	simm.s32 $0x0;
	s18 =	simm.s32 $0x200  }
.LBB2_2:
0x10: {  	p0 =	sne.s32 s18, $0xFE00;
	[tilespmem:s17+$0xF0] =	vst v0  }
0x11: {  	[tilespmem:s17+$0x80] =	vst v0  }
0x12: {  	[tilespmem:s17+$0x90] =	vst v0  }
.Ltmp0:
0x13: {  	[tilespmem:s17+$0xA0] =	vst v0;
	(pc) =	sbr.rel @p0 .LBB2_2-.Ltmp0, $4  }
0x14: {  	[tilespmem:s17+$0xB0] =	vst v0  }
0x15: {  	[tilespmem:s17+$0xC0] =	vst v0  }
0x16: {  	[tilespmem:s17+$0xD0] =	vst v0  }
0x17: {  	[tilespmem:s17+$0xE0] =	vst v0;
	s17 =	sshra.s32 s18, $0x2;
	s18 =	sadd.s32 $0x200, s18  }
0x18: {  	[tilespmem:s17+$0xF0] =	vst v0  }
0x19: {  	[tilespmem:s17+$0x80] =	vst v0  }
0x1a: {  	[tilespmem:s17+$0x90] =	vst v0  }
0x1b: {  	[tilespmem:s17+$0xA0] =	vst v0  }
0x1c: {  	[tilespmem:s17+$0xB0] =	vst v0  }
0x1d: {  	[tilespmem:s17+$0xC0] =	vst v0  }
0x1e: {  	[tilespmem:s17+$0xD0] =	vst v0  }
0x1f: {  	[tilespmem:s17+$0xE0] =	vst v0  }
0x20: {  	[spmem:s4] =	stream.linear.scatter [tilespmem:s12], [sflag:$0x1], $0x4000, $0x38;
	[tilespmem:$0x17C80] =	vst v63  }
0x21: {  	_ =	swait.ge [sflag:s13], $0x4000  }
0x22: {  	[sflag:s13] =	ssyncset.done $0x0  }
0x23: {  	[sflag:s13] =	ssyncadd.s32 $0xFFFFC000  }
0x24: {  	[spmem:s5] =	stream.linear.scatter [tilespmem:s12], [sflag:$0x1], $0x4000, $0x38;
	[tilespmem:$0x17C80] =	vst v63  }
0x25: {  	_ =	swait.ge [sflag:s13], $0x4000  }
0x26: {  	[sflag:s13] =	ssyncset.done $0x0  }
0x27: {  	[sflag:s13] =	ssyncadd.s32 $0xFFFFC000  }
0x28: {  	[spmem:s6] =	stream.linear.scatter [tilespmem:s12], [sflag:$0x1], $0x4000, $0x38;
	[tilespmem:$0x17C80] =	vst v63  }
0x29: {  	_ =	swait.ge [sflag:s13], $0x4000  }
0x2a: {  	[sflag:s13] =	ssyncset.done $0x0  }
0x2b: {  	[sflag:s13] =	ssyncadd.s32 $0xFFFFC000  }
0x2c: {  	[spmem:s7] =	stream.linear.scatter [tilespmem:s12], [sflag:$0x1], $0x4000, $0x38;
	[tilespmem:$0x17C80] =	vst v63  }
0x2d: {  	_ =	swait.ge [sflag:s13], $0x4000  }
0x2e: {  	[sflag:s13] =	ssyncset.done $0x0  }
0x2f: {  	[sflag:s13] =	ssyncadd.s32 $0xFFFFC000  }
0x30: {  	[spmem:s8] =	stream.linear.scatter [tilespmem:s12], [sflag:$0x1], $0x3C00, $0x38;
	[tilespmem:$0x17C80] =	vst v63  }
0x31: {  	_ =	swait.ge [sflag:s13], $0x3C00  }
0x32: {  	[sflag:s13] =	ssyncset.done $0x0  }
0x33: {  	s17 =	simm.s32 $0x200;
	s18 =	simm.s32 $0x0;
	[sflag:s13] =	ssyncadd.s32 $0xFFFFC400  }
.LBB2_4:
0x34: {  	p0 =	sne.s32 s17, $0xFE00;
	[tilespmem:s18+$0x80] =	vst v1;
	s18 =	smov.u32 s17;
	s17 =	sadd.s32 $0x200, s17  }
.Ltmp1:
0x35: {  	(pc) =	sbr.rel @p0 .LBB2_4-.Ltmp1, $2  }
0x36: {  	_ =	sdelay $0x2  }
0x37: {  	s18 =	sshra.s32 s18, $0x2  }
0x38: {  	[tilespmem:s18+$0x80] =	vst v1  }
0x39: {  	s17 =	sadd.s32 $0x0, s11;
	[bflag:$0x0] =	sbarrier.arrive $0xFFFF  }
0x3a: {  	[tilespmem:s3], [sflag:$0x1] =	stream.linear.gather [hbm4b:s17+s3], $0x80, $0x38;
	[tilespmem:$0x17C80] =	vst v63  }
0x3b: {  	_ =	swait.ge [sflag:s13], $0x80  }
0x3c: {  	[sflag:s13] =	ssyncset.done $0x0  }
0x3d: {  	[sflag:s13] =	ssyncadd.s32 $0xFFFFFF80  }
0x3e: {  	[spmem:s2] =	stream.indirect.scatter.add.f32 [tilespmem:s12], [sflag:$0x1], $0x80, s3, s12, $0xb8;
	[tilespmem:$0x17C80] =	vst v63  }
0x3f: {  	_ =	swait.ge [sflag:s13], $0x4000  }
0x40: {  	s18 =	simm.s32 $0x20;
	s17 =	simm.s32 $0x10;
	[sflag:s13] =	ssyncset.done $0x0  }
.LBB2_6:
0x41: {  	s19 =	sadd.s32 s17, s11  }
0x42: {  	[sflag:s13] =	ssyncadd.s32 $0xFFFFC000;
	s17 =	smov.u32 s18;
	s20 =	sadd.s32 $0x10, s18  }
0x43: {  	[tilespmem:s3], [sflag:$0x1] =	stream.linear.gather [hbm4b:s19+s3], $0x80, $0x38;
	[tilespmem:$0x17C80] =	vst v63  }
0x44: {  	p0 =	sne.s32 s18, $0x4E0;
	_ =	swait.ge [sflag:s13], $0x80  }
.Ltmp2:
0x45: {  	[sflag:s13] =	ssyncset.done $0x0;
	(pc) =	sbr.rel @p0 .LBB2_6-.Ltmp2, $4  }
0x46: {  	[sflag:s13] =	ssyncadd.s32 $0xFFFFFF80  }
0x47: {  	[spmem:s2] =	stream.indirect.scatter.add.f32 [tilespmem:s12], [sflag:$0x1], $0x80, s3, s12, $0xb8;
	[tilespmem:$0x17C80] =	vst v63  }
0x48: {  	_ =	swait.ge [sflag:s13], $0x4000  }
0x49: {  	s18 =	smov.u32 s20;
	[sflag:s13] =	ssyncset.done $0x0  }
0x4a: {  	s17 =	sadd.s32 s17, s11;
	[sflag:s13] =	ssyncadd.s32 $0xFFFFC000  }
0x4b: {  	[tilespmem:s3], [sflag:$0x1] =	stream.linear.gather [hbm4b:s17+s3], $0x80, $0x38;
	[tilespmem:$0x17C80] =	vst v63  }
0x4c: {  	_ =	swait.ge [sflag:s13], $0x80  }
0x4d: {  	[sflag:s13] =	ssyncset.done $0x0  }
0x4e: {  	[sflag:s13] =	ssyncadd.s32 $0xFFFFFF80  }
0x4f: {  	[spmem:s2] =	stream.indirect.scatter.add.f32 [tilespmem:s12], [sflag:$0x1], $0x80, s3, s12, $0xb8;
	[tilespmem:$0x17C80] =	vst v63  }
0x50: {  	_ =	swait.ge [sflag:s13], $0x4000  }
0x51: {  	s16 =	sadd.s32 $0x1, s16;
	[sflag:s13] =	ssyncset.done $0x0  }
0x52: {  	p0 =	sne.s32 s16, s10;
	[sflag:s13] =	ssyncadd.s32 $0xFFFFC000  }
.Ltmp3:
0x53: {  	[bflag:$0x0] =	sbarrier.arrive $0xFFFF;
	(pc) =	sbr.rel @p0 .LBB2_1-.Ltmp3, $4  }
0x54: {  	[hbm:s9], [sflag:s14] =	dma.local [spmem:s15], $0x2780  }
0x55: {  	_ =	swait.ge [sflag:s13], $0x2780  }
0x56: {  	[sflag:s13] =	ssyncset.done $0x0  }
0x57: {  	[sflag:s13] =	ssyncadd.s32 $0xFFFFD880  }
0x58: {  	_ =	sfence.sel $0x180000  }
0x59: {  	[bflag:$0x0] =	sbarrier.arrive $0xFFFF  }
0x5a: {  	p0 =	sne.s32 s0, $0x0;
	_ =	strace $0x9000004A  }
0x5b: {  	s0 =	sadd.s32 @!p0 $0x100000, s1;
	[bflag:$0x2] =	sbarrier.arrive $0xFFFF  }
0x5c: {  	[sflag:s0] =	ssyncadd.tile.s32 @!p0 $0x1;
	_ =	shalt  }
.Lfunc_end2:
_tile_overlayer_lowered:
.L_overlay_start_2:
0x5d: {  	(tag) =	ssettag $0x2  }
0x5e: {  	s0 =	rddreg [dreg:$0x0];
	s2 =	stileid.u32  }
0x5f: {  	s1 =	rddreg [dreg:$0x1];
	p0 =	sne.s32 s2, $0x0  }
0x60: {  	s3 =	rddreg [dreg:$0x2];
	[bflag:$0x3] =	sbarrier.arrive $0xFFFF;
	s2 =	simm.s32 @!p0 $0x1C01  }
0x61: {  	[timem:s3], [sflag:s2] =	dma.local @!p0 [hbm:s0], s1  }
0x62: {  	s0 =	simm.s32 @!p0 $0x1  }
0x63: {  	_ =	swait.ge @!p0 [sflag:s0], s1  }
0x64: {  	s1 =	ssub.s32 @!p0 $0x0, s1;
	[sflag:s0] =	ssyncset.done @!p0 $0x0  }
0x65: {  	[sflag:s0] =	ssyncadd.s32 @!p0 s1  }
0x66: {  	[bflag:$0x3] =	sbarrier.arrive $0xFFFF  }
0x67: {  	_ =	shalt  }

// kernel: kernel.7.cloned.1.call-start
scs
__scs_entry_jumppad:
0x0: {  	(pc) =	sbr.rel $0x88, $3  }
0x1: {  	(tag) =	ssettag $0x0;
	lr =	simm.s32 $0x1  }
0x2: {  	[smem:$0x3F92] =	sst lr;
	_ =	strace $0xD0000000  }
0x3: {  	_ = 	snop  }
0x4: {  	_ = 	snop  }
0x5: {  	_ = 	snop  }
0x6: {  	_ = 	snop  }
0x7: {  	_ = 	snop  }
__scs_overlays_trampoline_lowered:
0x8: {  	[smem:$0x3FA1] =	sst s0  }
0x9: {  	[smem:$0x3FA2] =	sst s1  }
0xa: {  	[smem:$0x3FA3] =	sst s2  }
0xb: {  	[smem:$0x3FA4] =	sst s3  }
0xc: {  	[smem:$0x3FA5] =	sst s4  }
0xd: {  	[smem:$0x3FA6] =	sst s5  }
0xe: {  	[smem:$0x3FA7] =	sst s6  }
0xf: {  	[smem:$0x3FA8] =	sst s7  }
0x10: {  	[smem:$0x3FA9] =	sst s8  }
0x11: {  	[smem:$0x3FAA] =	sst s9;
	s0 =	simm.s32 @!p0 $0x0  }
0x12: {  	s1 =	sld [smem:$0x3F90];
	s0 =	simm.s32 @p0 $0x1  }
0x13: {  	[smem:$0x3FAB] =	sst s0;
	s0 =	simm.s32 @!p1 $0x0  }
0x14: {  	s2 =	sld [smem:$0x3F8F];
	s0 =	simm.s32 @p1 $0x1  }
0x15: {  	[smem:$0x3FAC] =	sst s0;
	s0 =	simm.s32 @!p2 $0x0  }
0x16: {  	s3 =	sld [smem:$0x3FDB];
	s0 =	simm.s32 @p2 $0x1  }
0x17: {  	s4 =	simm.s32 $0x1BF5;
	[smem:$0x3FAE] =	sst s0  }
0x18: {  	s0 =	sld [smem:$0x3F91];
	_ =	swait.ge [sflag:s4], $0x0  }
0x19: {  	s7 =	sld [smem:$0x3F92]  }
0x1a: {  	s8 =	sadd.s32 $0xFFFFE003, lr  }
0x1b: {  	s9 =	sadd.s32 $0xFFFFFEF7, lr;
	s5 =	simm.s32 $0xFFFFFFFF;
	p2 =	slt.u32 s8, $0xFFFFF086  }
0x1c: {  	p1 =	slt.u32 s9, $0xF7A;
	s5 =	simm.s32 @!p2 $0x0  }
0x1d: {  	s5 =	simm.s32 @p1 $0x1;
	p0 =	seq.s32 s7, s2  }
0x1e: {  	s7 =	smul.u32 @!p0 $0xF7A, s2;
	p2 =	seq.s32 @!p0 s5, $0x0  }
0x1f: {  	s9 =	smul.u32 $0xF7A, s1;
	s8 =	simm.s32 @!p0 $0x1BF5;
	p2 =	por !p2, p0  }
0x20: {  	[sflag:s8] =	ssyncset.s32 @!p0 $0xFFFFF086;
	s6 =	sadd.s32 @!p0 s3, s7;
	s7 =	simm.s32 @!p0 $0x108  }
0x21: {  	s3 =	sadd.s32 s3, s9;
	s6 =	sadd.s32 @!p0 $0x88, s6;
	s7 =	simm.s32 @p2 $0x1082  }
0x22: {  	[simem:s7], [sflag:s8] =	dma.local @!p0 [hbm:s6], $0xF7A  }
0x23: {  	s9 =	sor.u32 $0xD0000000, s2;
	s6 =	simm.s32 $0x108;
	_ =	swait.ge @!p0 [sflag:s8], $0x0  }
0x24: {  	s3 =	sadd.s32 $0x88, s3;
	s6 =	simm.s32 @!p1 $0x1082;
	[sflag:s4] =	ssyncset.s32 $0xFFFFF086  }
0x25: {  	[simem:s6], [sflag:s4] =	dma.local [hbm:s3], $0xF7A  }
0x26: {  	[smem:$0x3F92] =	sst s1;
	(tag) =	ssettag s2;
	_ =	strace s9  }
0x27: {  	s1 =	sld [smem:$0x3FA2]  }
0x28: {  	s2 =	sld [smem:$0x3FA3]  }
0x29: {  	s4 =	sld [smem:$0x3FA5]  }
0x2a: {  	p0 =	seq.s32 s5, $0x0;
	s5 =	sld [smem:$0x3FA6]  }
0x2b: {  	s6 =	sld [smem:$0x3FA7]  }
0x2c: {  	s7 =	sld [smem:$0x3FA8]  }
0x2d: {  	s3 =	simm.s32 $0x108;
	s8 =	sld [smem:$0x3FA9]  }
0x2e: {  	s3 =	simm.s32 @!p0 $0x1082;
	s9 =	sld [smem:$0x3FAA]  }
0x2f: {  	lr =	sadd.s32 s0, s3;
	s0 =	sld [smem:$0x3FA1]  }
0x30: {  	s3 =	sld [smem:$0x3FA4]  }
0x31: {  	[smem:$0x3FAD] =	sst s10  }
0x32: {  	s10 =	sld [smem:$0x3FAB];
	_ =	sdelay $0x3  }
0x33: {  	p0 =	seq.s32 s10, $0x1;
	s10 =	sld [smem:$0x3FAD];
	_ =	sdelay $0x3  }
0x34: {  	[smem:$0x3FAD] =	sst s10  }
0x35: {  	s10 =	sld [smem:$0x3FAC];
	_ =	sdelay $0x3  }
0x36: {  	p1 =	seq.s32 s10, $0x1;
	s10 =	sld [smem:$0x3FAD];
	_ =	sdelay $0x3  }
0x37: {  	[smem:$0x3FAD] =	sst s10  }
0x38: {  	s10 =	sld [smem:$0x3FAE]  }
0x39: {  	_ = 	snop;
	(pc) =	sbr.ind lr, $3  }
0x3a: {  	_ = 	snop  }
0x3b: {  	_ = 	snop  }
0x3c: {  	p2 =	seq.s32 s10, $0x1;
	s10 =	sld [smem:$0x3FAD]  }
0x3d: {  	_ =	shalt  }
0x3e: {  	_ =	shalt  }
0x3f: {  	_ =	shalt  }
0x40: {  	_ =	shalt  }
0x41: {  	_ =	shalt  }
0x42: {  	_ =	shalt  }
0x43: {  	_ =	shalt  }
0x44: {  	_ =	shalt  }
0x45: {  	_ =	shalt  }
0x46: {  	_ =	shalt  }
0x47: {  	_ =	shalt  }
0x48: {  	_ =	shalt  }
0x49: {  	_ =	shalt  }
0x4a: {  	_ =	shalt  }
0x4b: {  	_ =	shalt  }
0x4c: {  	_ =	shalt  }
0x4d: {  	_ =	shalt  }
0x4e: {  	_ =	shalt  }
0x4f: {  	_ =	shalt  }
0x50: {  	_ =	shalt  }
0x51: {  	_ =	shalt  }
0x52: {  	_ =	shalt  }
0x53: {  	_ =	shalt  }
0x54: {  	_ =	shalt  }
0x55: {  	_ =	shalt  }
0x56: {  	_ =	shalt  }
0x57: {  	_ =	shalt  }
0x58: {  	_ =	shalt  }
0x59: {  	_ =	shalt  }
0x5a: {  	_ =	shalt  }
0x5b: {  	_ =	shalt  }
0x5c: {  	_ =	shalt  }
0x5d: {  	_ =	shalt  }
0x5e: {  	_ =	shalt  }
0x5f: {  	_ =	shalt  }
0x60: {  	_ =	shalt  }
0x61: {  	_ =	shalt  }
0x62: {  	_ =	shalt  }
0x63: {  	_ =	shalt  }
0x64: {  	_ =	shalt  }
0x65: {  	_ =	shalt  }
0x66: {  	_ =	shalt  }
0x67: {  	_ =	shalt  }
0x68: {  	_ =	shalt  }
0x69: {  	_ =	shalt  }
0x6a: {  	_ =	shalt  }
0x6b: {  	_ =	shalt  }
0x6c: {  	_ =	shalt  }
0x6d: {  	_ =	shalt  }
0x6e: {  	_ =	shalt  }
0x6f: {  	_ =	shalt  }
0x70: {  	_ =	shalt  }
0x71: {  	_ =	shalt  }
0x72: {  	_ =	shalt  }
0x73: {  	_ =	shalt  }
0x74: {  	_ =	shalt  }
0x75: {  	_ =	shalt  }
0x76: {  	_ =	shalt  }
0x77: {  	_ =	shalt  }
0x78: {  	_ =	shalt  }
0x79: {  	_ =	shalt  }
0x7a: {  	_ =	shalt  }
0x7b: {  	_ =	shalt  }
0x7c: {  	_ =	shalt  }
0x7d: {  	_ =	shalt  }
0x7e: {  	_ =	shalt  }
0x7f: {  	_ =	shalt  }
0x80: {  	_ =	shalt  }
0x81: {  	_ =	shalt  }
0x82: {  	_ =	shalt  }
0x83: {  	_ =	shalt  }
0x84: {  	_ =	shalt  }
0x85: {  	_ =	shalt  }
0x86: {  	_ =	shalt  }
0x87: {  	_ =	shalt  }
.Lfunc_end0:
.L_simem_size_0:
called_computation_lowered:
.L_overlay_start_0:
0x88: {  	s2 =	sld [smem:$0x3FD9]  }
0x89: {  	s3 =	sld [smem:$0x3FFE];
	_ =	sdelay $0x1  }
0x8a: {  	s1 =	srdreg.scid  }
0x8b: {  	s0 =	sand.u32 $0x1, s1  }
0x8c: {  	s17 =	sshll.u32 s0, $0xA;
	s2 =	sadd.s32 s3, s2  }
0x8d: {  	s2 =	sadd.s32 s2, s17  }
0x8e: {  	[smem:$0x3FB9] =	sst s2  }
0x8f: {  	_ = 	snop  }
0x90: {  	s2 =	sld [smem:$0x3FD0];
	(tm) =	ssettm $0x1  }
0x91: {  	s18 =	sld [smem:$0x3FFB];
	_ =	sdelay $0x3  }
0x92: {  	_ =	strace s18  }
0x93: {  	s3 =	sld [smem:$0x3FFC];
	_ =	sdelay $0x3  }
0x94: {  	_ =	strace s3  }
0x95: {  	s3 =	sld [smem:$0x3FFD];
	_ =	sdelay $0x3  }
0x96: {  	_ =	strace s3  }
0x97: {  	_ =	strace $0x8FFFFFFF  }
0x98: {  	s19 =	sld [smem:$0x3FDB];
	_ =	sdelay $0x1  }
0x99: {  	s4 =	simm.s32 $_scs_section_size  }
0x9a: {  	s5 =	simm.s32 $_size__tile_overlayer_lowered;
	s6 =	simm.s32 $_tile_overlayer_lowered  }
0x9b: {  	s22 =	simm.s32 $0x1BFF;
	s21 =	sshll.u32 s6, $0x1;
	s3 =	sadd.s32 s4, s19  }
0x9c: {  	s7 =	simm.s32 $0x0;
	s20 =	sshll.u32 s5, $0x1;
	s5 =	sadd.s32 s21, s3  }
0x9d: {  	[timem:s7], [sflag:s22] =	dma.local [hbm:s5], s20  }
0x9e: {  	_ =	swait.ge [sflag:s22], s20  }
0x9f: {  	s4 =	ssub.s32 $0x0, s20;
	[sflag:s22] =	ssyncset.done $0x0  }
0xa0: {  	[sflag:s22] =	ssyncadd.s32 s4;
	_ =	sdelay $0x1  }
0xa1: {  	s23 =	simm.s32 $0x1B8B  }
0xa2: {  	_ =	swait.ge [sflag:s23], $0x1  }
0xa3: {  	[sflag:s23] =	ssyncset.done $0x0  }
0xa4: {  	s25 =	simm.s32 $0x1B8E;
	s24 =	sld [smem:$0x3FFE];
	[sflag:s23] =	ssyncadd.s32 $0xFFFFFFFF  }
0xa5: {  	s26 =	simm.s32 $execute0_lowered;
	[smem:$0x3FD2] =	sst s25  }
0xa6: {  	s5 =	sshll.u32 s26, $0x1;
	_ =	strace $0x80000046;
	[dreg:$0x1] =	wrdreg $0xFFFFFFFF  }
0xa7: {  	s28 =	simm.s32 $_size_execute0_lowered;
	s3 =	sadd.s32 s3, s5;
	[dreg:$0x0] =	wrdreg $0x0  }
0xa8: {  	s5 =	sshll.u32 s28, $0x1;
	[dreg:$0x2] =	wrdreg s3  }
0xa9: {  	[dreg:$0x3] =	wrdreg s5  }
0xaa: {  	[dreg:$0x4] =	wrdreg $0xC0  }
0xab: {  	_ =	task [dreg:s7], $0x5FFFF  }
0xac: {  	[dreg:$0x1] =	wrdreg $0xFFFFFFFF  }
0xad: {  	[dreg:$0x0] =	wrdreg $0x60  }
0xae: {  	[dreg:$0x2] =	wrdreg s2  }
0xaf: {  	[dreg:$0x3] =	wrdreg s24  }
0xb0: {  	[dreg:$0x4] =	wrdreg $0x81000  }
0xb1: {  	[dreg:$0x5] =	wrdreg $0x9  }
0xb2: {  	_ =	task.clear_ibuf [dreg:s7], $0x6FFFF;
	_ =	strace $0x90000046  }
0xb3: {  	s29 =	simm.s32 $0x9;
	_ =	strace $0x80000048  }
0xb4: {  	_ =	swait.ge [sflag:s29], $0x1  }
0xb5: {  	[sflag:s29] =	ssyncadd.s32 $0xFFFFFFFF  }
0xb6: {  	_ =	strace $0x90000048  }
0xb7: {  	_ =	sfence  }
0xb8: {  	s30 =	sld [smem:$0x0];
	_ =	sdelay $0x2  }
0xb9: {  	s31 =	sshll.u32 s1, $0xD;
	s1 =	sshrl.u32 s1, $0x2  }
0xba: {  	s3 =	sand.u32 $0x4000, s31;
	s1 =	sadd.s32 s1, s30  }
0xbb: {  	s0 =	sor.u32 s3, s0;
	s1 =	sshll.u32 s1, $0x11  }
0xbc: {  	s0 =	sor.u32 s1, s0  }
0xbd: {  	s0 =	sadd.s32 $0x8F2B, s0  }
0xbe: {  	[sflag:s0] =	ssyncadd.remote.s32 $0x1  }
0xbf: {  	_ =	sfence.sel $0xFFFF  }
0xc0: {  	[dreg:$0x0] =	wrdreg $0xFFFFFFFF;
	(pc) =	sbr.abs _section_cstart, $3  }
0xc1: {  	[dreg:$0x1] =	wrdreg $0xFFFFFFFF  }
0xc2: {  	_ =	task.clear_ibuf [dreg:s7], $0x2FFFF;
	_ =	strace $0x9FFFFFFF  }
0xc3: {  	(tm) =	ssettm $0x7FFFFFFF  }
tec
execute0_lowered:
.L_overlay_start_1:
0x0: {  	(tag) =	ssettag $0x1  }
0x1: {  	s1 =	rddreg [dreg:$0x0]  }
0x2: {  	s8 =	rddreg [dreg:$0x1]  }
0x3: {  	s2 =	rddreg [dreg:$0x2]  }
0x4: {  	s3 =	srdreg.scid;
	s0 =	rddreg [dreg:$0x3];
	s4 =	simm.s32 $0x0  }
0x5: {  	s17 =	simm.s32 $0x4100;
	s18 =	simm.s32 $0x2;
	s19 =	simm.s32 $0x80  }
0x6: {  	s20 =	simm.s32 $0x100;
	s9 =	sand.u32 $0x1, s3;
	s3 =	stileid.u32  }
0x7: {  	[smem:$0x7FF] =	sst s4;
	s5 =	sadd.s32 $0x9CAE00, s8;
	s6 =	smul.u32 $0x13C000, s9  }
0x8: {  	s21 =	simm.s32 $0x1;
	s7 =	smul.u32 $0x13C00, s3;
	_ =	strace $0x80000047  }
0x9: {  	s11 =	smul.u32 $0x4F000, s3;
	s29 =	ssub.s32 $0x2, s9;
	s9 =	sshll.u32 s9, $0x4  }
0xa: {  	s31 =	sshrl.u32 s29, $0x1;
	s14 =	sor.u32 s3, s9;
	s10 =	sadd.s32 s7, s6  }
0xb: {  	s6 =	sadd.s32 $0x9D4C00, s8;
	s7 =	sadd.s32 $0x9DEA00, s8;
	s30 =	sshrl.u32 s11, $0x2  }
0xc: {  	s16 =	ssub.s32 s29, s31;
	s12 =	smul.u32 $0x4F, s14;
	s10 =	sshrl.u32 s10, $0x3  }
0xd: {  	s14 =	smul.u32 $0x13C000, s14;
	s15 =	sadd.s32 s10, s8;
	s8 =	sadd.s32 s30, s2  }
0xe: {  	s16 =	smax.u32 s16, $0x1;
	s9 =	sadd.s32 $0x4000, s8;
	s10 =	sadd.s32 $0x8000, s8  }
0xf: {  	v0 =	vimm.f32 $0.0e+00;
	s11 =	sadd.s32 $0xC000, s8;
	s13 =	sadd.s32 $0x10000, s8;
	s15 =	sadd.s32 $0x2D000, s15  }
.LBB2_1:
0x10: {  	s22 =	simm.s32 $0x0;
	s23 =	simm.s32 $0x200  }
.LBB2_2:
0x11: {  	p0 =	sne.s32 s23, $0xFE00;
	[tilespmem:s22+$0x4170] =	vst v0  }
0x12: {  	[tilespmem:s22+$0x4100] =	vst v0  }
0x13: {  	[tilespmem:s22+$0x4110] =	vst v0  }
.Ltmp0:
0x14: {  	[tilespmem:s22+$0x4120] =	vst v0;
	(pc) =	sbr.rel @p0 .LBB2_2-.Ltmp0, $4  }
0x15: {  	[tilespmem:s22+$0x4130] =	vst v0  }
0x16: {  	[tilespmem:s22+$0x4140] =	vst v0  }
0x17: {  	[tilespmem:s22+$0x4150] =	vst v0  }
0x18: {  	[tilespmem:s22+$0x4160] =	vst v0;
	s22 =	sshra.s32 s23, $0x2;
	s23 =	sadd.s32 $0x200, s23  }
0x19: {  	[tilespmem:s22+$0x4170] =	vst v0  }
0x1a: {  	[tilespmem:s22+$0x4100] =	vst v0  }
0x1b: {  	[tilespmem:s22+$0x4110] =	vst v0  }
0x1c: {  	[tilespmem:s22+$0x4120] =	vst v0  }
0x1d: {  	[tilespmem:s22+$0x4130] =	vst v0  }
0x1e: {  	[tilespmem:s22+$0x4140] =	vst v0  }
0x1f: {  	[tilespmem:s22+$0x4150] =	vst v0  }
0x20: {  	[tilespmem:s22+$0x4160] =	vst v0  }
0x21: {  	[spmem:s8] =	stream.linear.scatter [tilespmem:s17], [sflag:$0x2], $0x4000, $0x38;
	[tilespmem:$0x1BD00] =	vst v63  }
0x22: {  	_ =	swait.ge [sflag:s18], $0x4000  }
0x23: {  	[sflag:s18] =	ssyncset.done $0x0  }
0x24: {  	[sflag:s18] =	ssyncadd.s32 $0xFFFFC000  }
0x25: {  	[spmem:s9] =	stream.linear.scatter [tilespmem:s17], [sflag:$0x2], $0x4000, $0x38;
	[tilespmem:$0x1BD00] =	vst v63  }
0x26: {  	_ =	swait.ge [sflag:s18], $0x4000  }
0x27: {  	[sflag:s18] =	ssyncset.done $0x0  }
0x28: {  	[sflag:s18] =	ssyncadd.s32 $0xFFFFC000  }
0x29: {  	[spmem:s10] =	stream.linear.scatter [tilespmem:s17], [sflag:$0x2], $0x4000, $0x38;
	[tilespmem:$0x1BD00] =	vst v63  }
0x2a: {  	_ =	swait.ge [sflag:s18], $0x4000  }
0x2b: {  	[sflag:s18] =	ssyncset.done $0x0  }
0x2c: {  	[sflag:s18] =	ssyncadd.s32 $0xFFFFC000  }
0x2d: {  	[spmem:s11] =	stream.linear.scatter [tilespmem:s17], [sflag:$0x2], $0x4000, $0x38;
	[tilespmem:$0x1BD00] =	vst v63  }
0x2e: {  	_ =	swait.ge [sflag:s18], $0x4000  }
0x2f: {  	[sflag:s18] =	ssyncset.done $0x0  }
0x30: {  	[sflag:s18] =	ssyncadd.s32 $0xFFFFC000  }
0x31: {  	[spmem:s13] =	stream.linear.scatter [tilespmem:s17], [sflag:$0x2], $0x3C00, $0x38;
	[tilespmem:$0x1BD00] =	vst v63  }
0x32: {  	_ =	swait.ge [sflag:s18], $0x3C00  }
0x33: {  	[sflag:s18] =	ssyncset.done $0x0  }
0x34: {  	[sflag:s18] =	ssyncadd.s32 $0xFFFFC400  }
0x35: {  	s22 =	simm.s32 $0x0;
	s23 =	simm.s32 $0x0;
	[bflag:$0x0] =	sbarrier.arrive $0xFFFF  }
.LBB2_4:
0x36: {  	s24 =	sadd.s32 s12, s23  }
0x37: {  	s24 =	sshll.u32 s24, $0x4  }
0x38: {  	s25 =	sadd.s32 s5, s24  }
0x39: {  	[tilespmem:s22], [sflag:$0x2] =	stream.linear.gather [hbm4b:s25+s22], $0x80, $0x38;
	[tilespmem:$0x1BD00] =	vst v63  }
0x3a: {  	_ =	swait.ge [sflag:s18], $0x80  }
0x3b: {  	[sflag:s18] =	ssyncset.done $0x0  }
0x3c: {  	s24 =	sadd.s32 s6, s24;
	[sflag:s18] =	ssyncadd.s32 $0xFFFFFF80  }
0x3d: {  	[tilespmem:s19], [sflag:$0x2] =	stream.linear.gather [hbm4b:s24+s22], $0x80, $0x38;
	[tilespmem:$0x1BD00] =	vst v63  }
0x3e: {  	s31 =	sshll.u32 s23, $0xE;
	_ =	swait.ge [sflag:s18], $0x80  }
0x3f: {  	s24 =	sadd.s32 s14, s31;
	[sflag:s18] =	ssyncset.done $0x0  }
0x40: {  	s24 =	sshrl.u32 s24, $0x3;
	[sflag:s18] =	ssyncadd.s32 $0xFFFFFF80  }
0x41: {  	[tilespmem:s20], [sflag:$0x1] =	stream.indirect.gather [hbm4b:s1+s19], $0x80, s22, s19, $0xb8;
	[tilespmem:$0x1BD00] =	vst v63  }
0x42: {  	s24 =	sadd.s32 s7, s24  }
0x43: {  	[tilespmem:s17], [sflag:$0x2] =	stream.linear.gather [hbm4b:s24+s22], $0x4000, $0x38;
	[tilespmem:$0x1BD00] =	vst v63  }
0x44: {  	_ =	swait.ge [sflag:s18], $0x4000  }
0x45: {  	[sflag:s18] =	ssyncset.done $0x0  }
0x46: {  	[sflag:s18] =	ssyncadd.s32 $0xFFFFC000  }
0x47: {  	_ =	swait.ge [sflag:s21], $0x4000  }
0x48: {  	[sflag:s21] =	ssyncset.done $0x0  }
0x49: {  	s24 =	simm.s32 $0x0;
	[sflag:s21] =	ssyncadd.s32 $0xFFFFC000  }
0x4a: {  	v7 =	vld [tilespmem:s24+$0x100]  }
0x4b: {  	v12 =	vld [tilespmem:s24+$0x110]  }
0x4c: {  	v6 =	vld [tilespmem:s24+$0x120]  }
0x4d: {  	v5 =	vld [tilespmem:s24+$0x130]  }
0x4e: {  	v4 =	vld [tilespmem:s24+$0x140]  }
0x4f: {  	v3 =	vld [tilespmem:s24+$0x150]  }
0x50: {  	v2 =	vld [tilespmem:s24+$0x160]  }
0x51: {  	v1 =	vld [tilespmem:s24+$0x170]  }
0x52: {  	v13 =	vld [tilespmem:s24+$0x4100]  }
0x53: {  	v14 =	vld [tilespmem:s24+$0x4110]  }
0x54: {  	v11 =	vld [tilespmem:s24+$0x4120]  }
0x55: {  	v10 =	vld [tilespmem:s24+$0x4130]  }
0x56: {  	v9 =	vld [tilespmem:s24+$0x4140]  }
0x57: {  	v8 =	vld [tilespmem:s24+$0x4150];
	v13 =	vadd.f32 v7, v13  }
0x58: {  	s25 =	simm.s32 $0x200;
	v12 =	vadd.f32 v12, v14;
	v7 =	vld [tilespmem:s24+$0x4160]  }
.LBB2_5:
0x59: {  	s26 =	sshra.s32 s25, $0x2;
	p0 =	sne.s32 s25, $0xFE00;
	v13 =	vmax.f32 v13, $0.0e+00;
	v6 =	vadd.f32 v6, v11;
	v11 =	vld [tilespmem:s24+$0x4170]  }
0x5a: {  	v14 =	vld [tilespmem:s26+$0x100];
	[tilespmem:s24+$0x4100] =	vst v13;
	v12 =	vmax.f32 v12, $0.0e+00;
	v5 =	vadd.f32 v5, v10  }
0x5b: {  	v15 =	vld [tilespmem:s26+$0x110];
	[tilespmem:s24+$0x4110] =	vst v12;
	v10 =	vmax.f32 v6, $0.0e+00;
	v4 =	vadd.f32 v4, v9  }
0x5c: {  	v6 =	vld [tilespmem:s26+$0x120];
	[tilespmem:s24+$0x4120] =	vst v10;
	v9 =	vmax.f32 v5, $0.0e+00;
	v3 =	vadd.f32 v3, v8  }
0x5d: {  	v5 =	vld [tilespmem:s26+$0x130];
	[tilespmem:s24+$0x4130] =	vst v9;
	v8 =	vmax.f32 v4, $0.0e+00;
	v2 =	vadd.f32 v2, v7  }
0x5e: {  	v4 =	vld [tilespmem:s26+$0x140];
	[tilespmem:s24+$0x4140] =	vst v8;
	v7 =	vmax.f32 v3, $0.0e+00;
	v1 =	vadd.f32 v1, v11  }
0x5f: {  	v3 =	vld [tilespmem:s26+$0x150];
	[tilespmem:s24+$0x4150] =	vst v7;
	v7 =	vmax.f32 v2, $0.0e+00  }
0x60: {  	v2 =	vld [tilespmem:s26+$0x160];
	[tilespmem:s24+$0x4160] =	vst v7;
	v7 =	vmax.f32 v1, $0.0e+00  }
0x61: {  	v1 =	vld [tilespmem:s26+$0x170];
	[tilespmem:s24+$0x4170] =	vst v7;
	s24 =	smov.u32 s26  }
0x62: {  	v7 =	vld [tilespmem:s24+$0x4100]  }
0x63: {  	v12 =	vld [tilespmem:s24+$0x4110]  }
.Ltmp1:
0x64: {  	v11 =	vld [tilespmem:s24+$0x4120];
	(pc) =	sbr.rel @p0 .LBB2_5-.Ltmp1, $4  }
0x65: {  	v10 =	vld [tilespmem:s24+$0x4130]  }
0x66: {  	v9 =	vld [tilespmem:s24+$0x4140]  }
0x67: {  	v13 =	vadd.f32 v14, v7;
	v8 =	vld [tilespmem:s24+$0x4150]  }
0x68: {  	s25 =	sadd.s32 $0x200, s25;
	v12 =	vadd.f32 v15, v12;
	v7 =	vld [tilespmem:s24+$0x4160]  }
0x69: {  	v13 =	vmax.f32 v13, $0.0e+00;
	v6 =	vadd.f32 v6, v11;
	v63 =	vld [tilespmem:s24+$0x4170]  }
0x6a: {  	[tilespmem:s24+$0x4100] =	vst v13;
	v12 =	vmax.f32 v12, $0.0e+00;
	v5 =	vadd.f32 v5, v10  }
0x6b: {  	[tilespmem:s24+$0x4110] =	vst v12;
	v6 =	vmax.f32 v6, $0.0e+00;
	v4 =	vadd.f32 v4, v9  }
0x6c: {  	[tilespmem:s24+$0x4120] =	vst v6;
	v5 =	vmax.f32 v5, $0.0e+00;
	v3 =	vadd.f32 v3, v8  }
0x6d: {  	[tilespmem:s24+$0x4130] =	vst v5;
	v4 =	vmax.f32 v4, $0.0e+00;
	v2 =	vadd.f32 v2, v7  }
0x6e: {  	[tilespmem:s24+$0x4140] =	vst v4;
	v3 =	vmax.f32 v3, $0.0e+00;
	v1 =	vadd.f32 v1, v63  }
0x6f: {  	s23 =	sadd.s32 $0x1, s23;
	[tilespmem:s24+$0x4150] =	vst v3;
	v2 =	vmax.f32 v2, $0.0e+00  }
0x70: {  	p0 =	sne.s32 s23, $0x4F;
	[tilespmem:s24+$0x4160] =	vst v2;
	v1 =	vmax.f32 v1, $0.0e+00  }
.Ltmp2:
0x71: {  	[tilespmem:s24+$0x4170] =	vst v1;
	(pc) =	sbr.rel @p0 .LBB2_4-.Ltmp2, $4  }
0x72: {  	[spmem:s2] =	stream.indirect.scatter.add.f32 [tilespmem:s17], [sflag:$0x2], $0x80, s19, s19, $0xb8;
	[tilespmem:$0x1BD00] =	vst v63  }
0x73: {  	_ =	swait.ge [sflag:s18], $0x4000  }
0x74: {  	[sflag:s18] =	ssyncset.done $0x0  }
0x75: {  	[sflag:s18] =	ssyncadd.s32 $0xFFFFC000  }
0x76: {  	s4 =	sadd.s32 $0x1, s4  }
0x77: {  	s22 =	sshll.u32 s3, $0x6;
	[bflag:$0x0] =	sbarrier.arrive $0xFFFF;
	p0 =	sne.s32 s4, s16  }
.Ltmp3:
0x78: {  	s23 =	sshrl.u32 s8, $0x3;
	s22 =	sor.u32 $0x1C02, s22;
	(pc) =	sbr.rel @p0 .LBB2_1-.Ltmp3, $4  }
0x79: {  	[hbm:s15], [sflag:s22] =	dma.local [spmem:s23], $0x2780  }
0x7a: {  	_ =	swait.ge [sflag:s18], $0x2780  }
0x7b: {  	[sflag:s18] =	ssyncset.done $0x0  }
0x7c: {  	[sflag:s18] =	ssyncadd.s32 $0xFFFFD880  }
0x7d: {  	_ =	sfence.sel $0x180000  }
0x7e: {  	[bflag:$0x0] =	sbarrier.arrive $0xFFFF  }
0x7f: {  	p0 =	sne.s32 s3, $0x0;
	_ =	strace $0x90000047  }
0x80: {  	s0 =	sadd.s32 @!p0 $0x100000, s0;
	[bflag:$0x2] =	sbarrier.arrive $0xFFFF  }
0x81: {  	[sflag:s0] =	ssyncadd.tile.s32 @!p0 $0x1;
	_ =	shalt  }
.Lfunc_end2:
_tile_overlayer_lowered:
.L_overlay_start_2:
0x82: {  	(tag) =	ssettag $0x2  }
0x83: {  	s0 =	rddreg [dreg:$0x0];
	s2 =	stileid.u32  }
0x84: {  	s1 =	rddreg [dreg:$0x1];
	p0 =	sne.s32 s2, $0x0  }
0x85: {  	s3 =	rddreg [dreg:$0x2];
	[bflag:$0x3] =	sbarrier.arrive $0xFFFF;
	s2 =	simm.s32 @!p0 $0x1C02  }
0x86: {  	[timem:s3], [sflag:s2] =	dma.local @!p0 [hbm:s0], s1  }
0x87: {  	s0 =	simm.s32 @!p0 $0x2  }
0x88: {  	_ =	swait.ge @!p0 [sflag:s0], s1  }
0x89: {  	s1 =	ssub.s32 @!p0 $0x0, s1;
	[sflag:s0] =	ssyncset.done @!p0 $0x0  }
0x8a: {  	[sflag:s0] =	ssyncadd.s32 @!p0 s1  }
0x8b: {  	[bflag:$0x3] =	sbarrier.arrive $0xFFFF  }
0x8c: {  	_ =	shalt  }

</sc_bundles>
